<compile_context>
chip_gen: v7x
topology: tpu7x:2x2x1
jax: 0.10.2.dev20260603
libtpu: 0.0.44.dev20260713+nightly
codegen_flags: <defaults>
</compile_context>

<pallas_src>
import functools

import jax
import jax.numpy as jnp
from jax import lax
from jax.experimental import pallas as pl
from jax.experimental.pallas import tpu as pltpu
from jax.experimental.pallas import tpu_sc as plsc

N = 10000
E = 320000
D = 128
NP = 10240
NC = 2
NS = 16
NW = NC * NS
EPW = E // NW
CH = 80
NCHUNK = EPW // CH
CHB = 80
NCHB = EPW // CHB
TAILB = EPW - NCHB * CHB
RPT = NP // NS
NB = 4
NBB = 4


def _sc_mesh():
    return plsc.VectorSubcoreMesh(core_axis_name="c", subcore_axis_name="s")


def _split_body(ei_ref, s_ref, d_ref):
    s_ref[...] = ei_ref[0, :]
    d_ref[...] = ei_ref[1, :]


def _tc_split(edge_index):
    return pl.pallas_call(
        _split_body,
        in_specs=[pl.BlockSpec((2, E), lambda: (0, 0))],
        out_specs=[
            pl.BlockSpec((E,), lambda: (0,)),
            pl.BlockSpec((E,), lambda: (0,)),
        ],
        out_shape=[
            jax.ShapeDtypeStruct((E,), jnp.int32),
            jax.ShapeDtypeStruct((E,), jnp.int32),
        ],
    )(edge_index)


def _deg_body(dst_hbm, zeros_hbm, degp_hbm,
              di0, di1, di2, di3, ones_v, acc_sh,
              is0, is1, is2, is3, ss0, ss1, ss2, ss3):
    cid = lax.axis_index("c")
    sid = lax.axis_index("s")
    wid = cid * NS + sid
    r0 = sid * RPT
    dib = (di0, di1, di2, di3)
    isem = (is0, is1, is2, is3)
    ssem = (ss0, ss1, ss2, ss3)
    for k in range(CH // 16):
        ones_v[pl.ds(k * 16, 16)] = jnp.ones((16,), jnp.float32)
    pltpu.sync_copy(zeros_hbm.at[pl.ds(r0, RPT)], acc_sh.at[pl.ds(r0, RPT)])
    plsc.subcore_barrier()

    base = wid * EPW

    def drain(b):
        pltpu.make_async_copy(ones_v, acc_sh.at[dib[b]], ssem[b]).wait()

    def group(k, carry):
        c0 = k * NB
        idescs = []
        for b in range(NB):
            @pl.when(k > 0)
            def _():
                drain(b)
            off = pl.multiple_of(base + (c0 + b) * CH, 8)
            idescs.append(
                pltpu.async_copy(dst_hbm.at[pl.ds(off, CH)], dib[b], isem[b]))
        for b in range(NB):
            idescs[b].wait()
            pltpu.async_copy(ones_v, acc_sh.at[dib[b]], ssem[b], add=True)
        return carry

    lax.fori_loop(0, NCHUNK // NB, group, 0)
    for b in range(NB):
        drain(b)
    for c in range(NCHUNK - NCHUNK % NB, NCHUNK):
        off = pl.multiple_of(base + c * CH, 8)
        pltpu.async_copy(dst_hbm.at[pl.ds(off, CH)], di0, is0).wait()
        pltpu.async_copy(ones_v, acc_sh.at[di0], ss0, add=True).wait()
    plsc.subcore_barrier()
    pltpu.sync_copy(acc_sh.at[pl.ds(r0, RPT)], degp_hbm.at[cid, pl.ds(r0, RPT)])


_deg_call = functools.partial(
    pl.kernel,
    out_type=jax.ShapeDtypeStruct((NC, NP), jnp.float32),
    mesh=_sc_mesh(),
    scratch_types=(
        [pltpu.VMEM((CH,), jnp.int32) for _ in range(4)]
        + [pltpu.VMEM((CH,), jnp.float32)]
        + [pltpu.VMEM_SHARED((NP,), jnp.float32)]
        + [pltpu.SemaphoreType.DMA for _ in range(8)]
    ),
)(_deg_body)


def _agg_body(g_hbm, src_hbm, dst_hbm, zrow_hbm, tp_hbm, *rest):
    sib = rest[0:NBB]
    dib = rest[NBB:2 * NBB]
    sit, dit = rest[2 * NBB], rest[2 * NBB + 1]
    rows = rest[2 * NBB + 2:3 * NBB + 2]
    acc_sh = rest[3 * NBB + 2]
    isem = rest[3 * NBB + 3:4 * NBB + 3]
    gsem = rest[4 * NBB + 3:5 * NBB + 3]
    ssem = rest[5 * NBB + 3:6 * NBB + 3]
    cid = lax.axis_index("c")
    sid = lax.axis_index("s")
    wid = cid * NS + sid
    r0 = sid * RPT

    pltpu.sync_copy(zrow_hbm, acc_sh.at[pl.ds(r0, RPT), :])

    plsc.subcore_barrier()

    base = wid * EPW

    def drain_scatter(b):
        pltpu.make_async_copy(rows[b], acc_sh.at[dib[b]], ssem[b]).wait()

    def group(k, carry):
        c0 = k * NBB
        idescs = []
        for b in range(NBB):
            @pl.when(k > 0)
            def _():
                drain_scatter(b)
            off = pl.multiple_of(base + (c0 + b) * CHB, 8)
            idescs.append(
                (pltpu.async_copy(src_hbm.at[pl.ds(off, CHB)], sib[b], isem[b]),
                 pltpu.async_copy(dst_hbm.at[pl.ds(off, CHB)], dib[b], isem[b])))
        gdescs = []
        for b in range(NBB):
            idescs[b][0].wait()
            idescs[b][1].wait()
            gdescs.append(
                pltpu.async_copy(g_hbm.at[sib[b]], rows[b], gsem[b]))
        for b in range(NBB):
            gdescs[b].wait()
            pltpu.async_copy(rows[b], acc_sh.at[dib[b]], ssem[b], add=True)
        return carry

    lax.fori_loop(0, NCHB // NBB, group, 0)
    for b in range(NBB):
        drain_scatter(b)
    for c in range((NCHB // NBB) * NBB, NCHB):
        off = pl.multiple_of(base + c * CHB, 8)
        pltpu.async_copy(src_hbm.at[pl.ds(off, CHB)], sib[0], isem[0]).wait()
        pltpu.async_copy(dst_hbm.at[pl.ds(off, CHB)], dib[0], isem[0]).wait()
        pltpu.async_copy(g_hbm.at[sib[0]], rows[0], gsem[0]).wait()
        pltpu.sync_copy(rows[0], acc_sh.at[dib[0]], add=True)
    if TAILB:
        toff = pl.multiple_of(base + NCHB * CHB, 8)
        pltpu.async_copy(src_hbm.at[pl.ds(toff, TAILB)], sit, isem[0]).wait()
        pltpu.async_copy(dst_hbm.at[pl.ds(toff, TAILB)], dit, isem[0]).wait()
        pltpu.async_copy(g_hbm.at[sit], rows[0].at[pl.ds(0, TAILB), :],
                         gsem[0]).wait()
        pltpu.sync_copy(rows[0].at[pl.ds(0, TAILB), :], acc_sh.at[dit],
                        add=True)

    plsc.subcore_barrier()
    pltpu.sync_copy(acc_sh.at[pl.ds(r0, RPT), :],
                    tp_hbm.at[cid, pl.ds(r0, RPT), :])


_agg_call = functools.partial(
    pl.kernel,
    out_type=jax.ShapeDtypeStruct((NC, NP, D), jnp.float32),
    mesh=_sc_mesh(),
    scratch_types=(
        [pltpu.VMEM((CHB,), jnp.int32) for _ in range(2 * NBB)]
        + [pltpu.VMEM((max(TAILB, 8),), jnp.int32) for _ in range(2)]
        + [pltpu.VMEM((CHB, D), jnp.float32) for _ in range(NBB)]
        + [pltpu.VMEM_SHARED((NP, D), jnp.float32)]
        + [pltpu.SemaphoreType.DMA for _ in range(3 * NBB)]
    ),
)(_agg_body)


BR = 2000
GRID = N // BR


def _mm_body(x_ref, w_ref, h_ref):
    h_ref[...] = jnp.dot(x_ref[...], w_ref[...],
                         preferred_element_type=jnp.float32)


def _tc_matmul(x, W):
    return pl.pallas_call(
        _mm_body,
        grid=(GRID,),
        in_specs=[
            pl.BlockSpec((BR, D), lambda i: (i, 0)),
            pl.BlockSpec((D, D), lambda i: (0, 0)),
        ],
        out_specs=pl.BlockSpec((BR, D), lambda i: (i, 0)),
        out_shape=jax.ShapeDtypeStruct((NP, D), jnp.float32),
    )(x, W)


def _lin_body(h_ref, degp_ref, g_ref, dinv_ref):
    deg = jnp.sum(degp_ref[...], axis=0) + 1.0
    dinv = lax.rsqrt(deg)
    g_ref[...] = h_ref[...] * dinv
    dinv_ref[...] = dinv


def _tc_scale(h, degp_col):
    return pl.pallas_call(
        _lin_body,
        grid=(GRID,),
        in_specs=[
            pl.BlockSpec((BR, D), lambda i: (i, 0)),
            pl.BlockSpec((NC, BR, 1), lambda i: (0, i, 0)),
        ],
        out_specs=[
            pl.BlockSpec((BR, D), lambda i: (i, 0)),
            pl.BlockSpec((BR, 1), lambda i: (i, 0)),
        ],
        out_shape=[
            jax.ShapeDtypeStruct((NP, D), jnp.float32),
            jax.ShapeDtypeStruct((NP, 1), jnp.float32),
        ],
    )(h, degp_col)


def _fin_body(tp_ref, g_ref, dinv_ref, b_ref, gamma_ref, beta_ref, o_ref):
    s = dinv_ref[...] * (tp_ref[0] + tp_ref[1] + g_ref[...]) + b_ref[...]
    mu = jnp.mean(s, axis=-1, keepdims=True)
    var = jnp.mean((s - mu) * (s - mu), axis=-1, keepdims=True)
    y = (s - mu) * lax.rsqrt(var + 1e-5) * gamma_ref[...] + beta_ref[...]
    o_ref[...] = jnp.maximum(y, 0.0)


def _tc_finish(tp, g, dinv_col, b, gamma, beta):
    return pl.pallas_call(
        _fin_body,
        grid=(GRID,),
        in_specs=[
            pl.BlockSpec((NC, BR, D), lambda i: (0, i, 0)),
            pl.BlockSpec((BR, D), lambda i: (i, 0)),
            pl.BlockSpec((BR, 1), lambda i: (i, 0)),
            pl.BlockSpec((D,), lambda i: (0,)),
            pl.BlockSpec((D,), lambda i: (0,)),
            pl.BlockSpec((D,), lambda i: (0,)),
        ],
        out_specs=pl.BlockSpec((BR, D), lambda i: (i, 0)),
        out_shape=jax.ShapeDtypeStruct((N, D), jnp.float32),
    )(tp, g, dinv_col, b, gamma, beta)


def kernel(x, edge_index, W, b, gamma, beta):
    zvec = jnp.zeros((NP,), jnp.float32)
    zrow = jnp.zeros((RPT, D), jnp.float32)

    src, dst = _tc_split(edge_index)
    degp = _deg_call(dst, zvec)
    h = _tc_matmul(x, W)
    degp_col = degp.reshape(NC, NP, 1)
    g, dinv_col = _tc_scale(h, degp_col)
    tp = _agg_call(g, src, dst, zrow)
    return _tc_finish(tp, g, dinv_col, b, gamma, beta)

# --- scband reference (transcript-rebuilt; emitter-appended) ---
"""Pipeline reference for scband-eeggcnlayer-53094385713628 (READ-ONLY COPY).

The authoritative reference and input builder live on the scoring server;
editing this copy changes nothing except your own understanding.
"""

import jax, jax.numpy as jnp
import numpy as np

N, E, D = 10000, 320000, 128

def setup_inputs(seed: int = 0):
    key = jax.random.key(seed)
    k1, k2, k3 = jax.random.split(key, 3)
    x = jax.random.normal(k1, (N, D), dtype=jnp.float32)
    edge_index = jax.random.randint(k2, (2, E), 0, N, dtype=jnp.int32)
    W = jax.random.normal(k3, (D, D), dtype=jnp.float32) * 0.05
    b = jnp.zeros((D,), dtype=jnp.float32)
    gamma = jnp.ones((D,), dtype=jnp.float32)
    beta = jnp.zeros((D,), dtype=jnp.float32)
    return {"x": x, "edge_index": edge_index, "W": W, "b": b, "gamma": gamma, "beta": beta}

def reference(x, edge_index, W, b, gamma, beta):
    n = x.shape[0]
    loop = jnp.arange(n, dtype=edge_index.dtype)
    src = jnp.concatenate([edge_index[0], loop])
    dst = jnp.concatenate([edge_index[1], loop])
    # GCN symmetric normalization (with self-loops); deg >= 1 so rsqrt is safe
    deg = jnp.zeros((n,), dtype=x.dtype).at[dst].add(1.0)
    dinv = jax.lax.rsqrt(deg)
    norm = dinv[src] * dinv[dst]
    # linear transform then gather-scatter aggregation
    h = x @ W
    msg = h[src] * norm[:, None]
    out = jnp.zeros_like(h).at[dst].add(msg) + b
    # LayerNorm
    mu = jnp.mean(out, axis=-1, keepdims=True)
    var = jnp.var(out, axis=-1, keepdims=True)
    out = (out - mu) * jax.lax.rsqrt(var + 1e-5) * gamma + beta
    # ReLU; Dropout is identity in eval mode
    return jax.nn.relu(out)

if __name__ == "__main__":
    import jax
    _d = setup_inputs()
    print(jax.jit(kernel)(*tuple(_d.values())))

</pallas_src>

<mosaic_0001>
#map = affine_map<(d0, d1) -> (0)>
#map1 = affine_map<(d0, d1) -> (0, 0)>
module attributes {stable_mosaic.version = 14 : i64} {
  func.func @_deg_body(%arg0: i32, %arg1: i32, %arg2: memref<320000xi32, #tpu.memory_space<hbm>>, %arg3: memref<10240xf32, #tpu.memory_space<hbm>>, %arg4: memref<2x10240xf32, #tpu.memory_space<hbm>>, %arg5: memref<80xi32, #tpu.memory_space<vmem>>, %arg6: memref<80xi32, #tpu.memory_space<vmem>>, %arg7: memref<80xi32, #tpu.memory_space<vmem>>, %arg8: memref<80xi32, #tpu.memory_space<vmem>>, %arg9: memref<80xf32, #tpu.memory_space<vmem>>, %arg10: memref<10240xf32, #tpu.memory_space<vmem_shared>>, %arg11: memref<!tpu.dma_semaphore, #tpu.memory_space<semaphore_mem>>, %arg12: memref<!tpu.dma_semaphore, #tpu.memory_space<semaphore_mem>>, %arg13: memref<!tpu.dma_semaphore, #tpu.memory_space<semaphore_mem>>, %arg14: memref<!tpu.dma_semaphore, #tpu.memory_space<semaphore_mem>>, %arg15: memref<!tpu.dma_semaphore, #tpu.memory_space<semaphore_mem>>, %arg16: memref<!tpu.dma_semaphore, #tpu.memory_space<semaphore_mem>>, %arg17: memref<!tpu.dma_semaphore, #tpu.memory_space<semaphore_mem>>, %arg18: memref<!tpu.dma_semaphore, #tpu.memory_space<semaphore_mem>>) attributes {dimension_semantics = [#tpu.dimension_semantics<core_parallel>, #tpu.dimension_semantics<subcore_parallel>], iteration_bounds = array<i64: 2, 16>, scalar_prefetch = 0 : i64, scratch_operands = 14 : i64, tpu.core_type = #tpu.core_type<sc_vector_subcore>, window_params = [{transform_indices = #map}, {transform_indices = #map}, {transform_indices = #map1}]} {
    %mul3A = arith.constant 16 : i32
    %mul3A_0 = arith.muli %arg0, %mul3A : i32
    %add3A = arith.addi %mul3A_0, %arg1 : i32
    %mul3A_1 = arith.constant 640 : i32
    %mul3A_2 = arith.muli %arg1, %mul3A_1 : i32
    %broadcast_in_dim3A = arith.constant 1.000000e+00 : f32
    %broadcast_in_dim3A_3 = vector.broadcast %broadcast_in_dim3A : f32 to vector<16xf32>
    %swap3A = arith.constant 0 : index
    %swap3A_4 = tpu.vector_load %arg9[%swap3A] {strides = array<i32>} : memref<80xf32, #tpu.memory_space<vmem>>, vector<16xf32>,
    %swap3A_5 = vector.shape_cast %swap3A_4 : vector<16xf32> to vector<16xf32>
    %swap3A_6 = vector.shape_cast %broadcast_in_dim3A_3 : vector<16xf32> to vector<16xf32>
    tpu.vector_store %arg9[%swap3A], %swap3A_6 {strides = array<i32>} : memref<80xf32, #tpu.memory_space<vmem>>, vector<16xf32>,
    %broadcast_in_dim3A_7 = arith.constant 1.000000e+00 : f32
    %broadcast_in_dim3A_8 = vector.broadcast %broadcast_in_dim3A_7 : f32 to vector<16xf32>
    %swap3A_9 = arith.constant 16 : index
    %swap3A_10 = tpu.vector_load %arg9[%swap3A_9] {strides = array<i32>} : memref<80xf32, #tpu.memory_space<vmem>>, vector<16xf32>,
    %swap3A_11 = vector.shape_cast %swap3A_10 : vector<16xf32> to vector<16xf32>
    %swap3A_12 = vector.shape_cast %broadcast_in_dim3A_8 : vector<16xf32> to vector<16xf32>
    tpu.vector_store %arg9[%swap3A_9], %swap3A_12 {strides = array<i32>} : memref<80xf32, #tpu.memory_space<vmem>>, vector<16xf32>,
    %broadcast_in_dim3A_13 = arith.constant 1.000000e+00 : f32
    %broadcast_in_dim3A_14 = vector.broadcast %broadcast_in_dim3A_13 : f32 to vector<16xf32>
    %swap3A_15 = arith.constant 32 : index
    %swap3A_16 = tpu.vector_load %arg9[%swap3A_15] {strides = array<i32>} : memref<80xf32, #tpu.memory_space<vmem>>, vector<16xf32>,
    %swap3A_17 = vector.shape_cast %swap3A_16 : vector<16xf32> to vector<16xf32>
    %swap3A_18 = vector.shape_cast %broadcast_in_dim3A_14 : vector<16xf32> to vector<16xf32>
    tpu.vector_store %arg9[%swap3A_15], %swap3A_18 {strides = array<i32>} : memref<80xf32, #tpu.memory_space<vmem>>, vector<16xf32>,
    %broadcast_in_dim3A_19 = arith.constant 1.000000e+00 : f32
    %broadcast_in_dim3A_20 = vector.broadcast %broadcast_in_dim3A_19 : f32 to vector<16xf32>
    %swap3A_21 = arith.constant 48 : index
    %swap3A_22 = tpu.vector_load %arg9[%swap3A_21] {strides = array<i32>} : memref<80xf32, #tpu.memory_space<vmem>>, vector<16xf32>,
    %swap3A_23 = vector.shape_cast %swap3A_22 : vector<16xf32> to vector<16xf32>
    %swap3A_24 = vector.shape_cast %broadcast_in_dim3A_20 : vector<16xf32> to vector<16xf32>
    tpu.vector_store %arg9[%swap3A_21], %swap3A_24 {strides = array<i32>} : memref<80xf32, #tpu.memory_space<vmem>>, vector<16xf32>,
    %broadcast_in_dim3A_25 = arith.constant 1.000000e+00 : f32
    %broadcast_in_dim3A_26 = vector.broadcast %broadcast_in_dim3A_25 : f32 to vector<16xf32>
    %swap3A_27 = arith.constant 64 : index
    %swap3A_28 = tpu.vector_load %arg9[%swap3A_27] {strides = array<i32>} : memref<80xf32, #tpu.memory_space<vmem>>, vector<16xf32>,
    %swap3A_29 = vector.shape_cast %swap3A_28 : vector<16xf32> to vector<16xf32>
    %swap3A_30 = vector.shape_cast %broadcast_in_dim3A_26 : vector<16xf32> to vector<16xf32>
    tpu.vector_store %arg9[%swap3A_27], %swap3A_30 {strides = array<i32>} : memref<80xf32, #tpu.memory_space<vmem>>, vector<16xf32>,
    "tpu.region"() ({
      %run_scoped3A = tpu.sem_alloc : memref<!tpu.dma_semaphore, #tpu.memory_space<semaphore_mem>>
      %dma_start3A_55 = tpu.memref_slice %arg10[%mul3A_2] : memref<10240xf32, #tpu.memory_space<vmem_shared>> -> memref<640xf32, #tpu.memory_space<vmem_shared>>
      %dma_start3A_56 = tpu.memref_slice %arg3[%mul3A_2] : memref<10240xf32, #tpu.memory_space<hbm>> -> memref<640xf32, #tpu.memory_space<hbm>>
      tpu.enqueue_dma source(%dma_start3A_56 : memref<640xf32, #tpu.memory_space<hbm>>) target(%dma_start3A_55 : memref<640xf32, #tpu.memory_space<vmem_shared>>) target_semaphore(%run_scoped3A : memref<!tpu.dma_semaphore, #tpu.memory_space<semaphore_mem>>)
      %dma_wait3A_57 = tpu.memref_slice %arg10[%mul3A_2] : memref<10240xf32, #tpu.memory_space<vmem_shared>> -> memref<640xf32, #tpu.memory_space<vmem_shared>>
      %dma_wait3A_58 = tpu.memref_slice %arg3[%mul3A_2] : memref<10240xf32, #tpu.memory_space<hbm>> -> memref<640xf32, #tpu.memory_space<hbm>>
      tpu.wait_dma2 semaphore(%run_scoped3A : memref<!tpu.dma_semaphore, #tpu.memory_space<semaphore_mem>>) src(%dma_wait3A_58 : memref<640xf32, #tpu.memory_space<hbm>>) dst(%dma_wait3A_57 : memref<640xf32, #tpu.memory_space<vmem_shared>>)
      tpu.yield
    }) : () -> ()
    %barrier3A = arith.constant 0 : index
    tpu.barrier barrier_id(%barrier3A)
    %mul3A_31 = arith.constant 10000 : i32
    %mul3A_32 = arith.muli %add3A, %mul3A_31 : i32
    %scan3A = arith.constant 0 : i32
    %scan3A_33 = arith.constant 0 : i32
    %scan3A_34 = arith.constant 31 : i32
    %scan3A_35 = arith.addi %scan3A_33, %scan3A_34 : i32
    %scan3A_36 = arith.constant 1 : i32
    scf.for %scan3A_55 = %scan3A_33 to %scan3A_35 step %scan3A_36  : i32 {
      %mul3A_56 = arith.constant 4 : i32
      %mul3A_57 = arith.muli %scan3A_55, %mul3A_56 : i32
      %gt3A = arith.constant 0 : i32
      %gt3A_58 = arith.cmpi sgt, %scan3A_55, %gt3A : i32
      %convert_element_type3A = arith.extui %gt3A_58 : i1 to i32
      %cond3A = arith.constant 0 : i32
      %cond3A_59 = arith.cmpi ne, %convert_element_type3A, %cond3A : i32
      scf.if %cond3A_59 {
        %dma_wait3A_123 = arith.constant 0 : i32
        %dma_wait3A_124 = tpu.memref_slice %arg10[%dma_wait3A_123] : memref<10240xf32, #tpu.memory_space<vmem_shared>> -> memref<10240xf32, #tpu.memory_space<vmem_shared>>
        tpu.wait_indirect_dma semaphore(%arg15 : memref<!tpu.dma_semaphore, #tpu.memory_space<semaphore_mem>>) src(%arg9 : memref<80xf32, #tpu.memory_space<vmem>>) dst(%dma_wait3A_124 : memref<10240xf32, #tpu.memory_space<vmem_shared>>)
      } else {
      }
      %add3A_60 = arith.constant 0 : i32
      %add3A_61 = arith.addi %mul3A_57, %add3A_60 : i32
      %mul3A_62 = arith.constant 80 : i32
      %mul3A_63 = arith.muli %add3A_61, %mul3A_62 : i32
      %add3A_64 = arith.addi %mul3A_32, %mul3A_63 : i32
      %multiple_of3A_65 = tpu.assume_multiple %add3A_64, 8 : i32
      %dma_start3A_66 = tpu.memref_slice %arg2[%multiple_of3A_65] : memref<320000xi32, #tpu.memory_space<hbm>> -> memref<80xi32, #tpu.memory_space<hbm>>
      %dma_start3A_67 = tpu.memref_slice %arg2[%multiple_of3A_65] : memref<320000xi32, #tpu.memory_space<hbm>> -> memref<80xi32, #tpu.memory_space<hbm>>
      tpu.enqueue_dma source(%dma_start3A_67 : memref<80xi32, #tpu.memory_space<hbm>>) target(%arg5 : memref<80xi32, #tpu.memory_space<vmem>>) target_semaphore(%arg11 : memref<!tpu.dma_semaphore, #tpu.memory_space<semaphore_mem>>)
      %gt3A_68 = arith.constant 0 : i32
      %gt3A_69 = arith.cmpi sgt, %scan3A_55, %gt3A_68 : i32
      %convert_element_type3A_70 = arith.extui %gt3A_69 : i1 to i32
      %cond3A_71 = arith.constant 0 : i32
      %cond3A_72 = arith.cmpi ne, %convert_element_type3A_70, %cond3A_71 : i32
      scf.if %cond3A_72 {
        %dma_wait3A_123 = arith.constant 0 : i32
        %dma_wait3A_124 = tpu.memref_slice %arg10[%dma_wait3A_123] : memref<10240xf32, #tpu.memory_space<vmem_shared>> -> memref<10240xf32, #tpu.memory_space<vmem_shared>>
        tpu.wait_indirect_dma semaphore(%arg16 : memref<!tpu.dma_semaphore, #tpu.memory_space<semaphore_mem>>) src(%arg9 : memref<80xf32, #tpu.memory_space<vmem>>) dst(%dma_wait3A_124 : memref<10240xf32, #tpu.memory_space<vmem_shared>>)
      } else {
      }
      %add3A_73 = arith.constant 1 : i32
      %add3A_74 = arith.addi %mul3A_57, %add3A_73 : i32
      %mul3A_75 = arith.constant 80 : i32
      %mul3A_76 = arith.muli %add3A_74, %mul3A_75 : i32
      %add3A_77 = arith.addi %mul3A_32, %mul3A_76 : i32
      %multiple_of3A_78 = tpu.assume_multiple %add3A_77, 8 : i32
      %dma_start3A_79 = tpu.memref_slice %arg2[%multiple_of3A_78] : memref<320000xi32, #tpu.memory_space<hbm>> -> memref<80xi32, #tpu.memory_space<hbm>>
      %dma_start3A_80 = tpu.memref_slice %arg2[%multiple_of3A_78] : memref<320000xi32, #tpu.memory_space<hbm>> -> memref<80xi32, #tpu.memory_space<hbm>>
      tpu.enqueue_dma source(%dma_start3A_80 : memref<80xi32, #tpu.memory_space<hbm>>) target(%arg6 : memref<80xi32, #tpu.memory_space<vmem>>) target_semaphore(%arg12 : memref<!tpu.dma_semaphore, #tpu.memory_space<semaphore_mem>>)
      %gt3A_81 = arith.constant 0 : i32
      %gt3A_82 = arith.cmpi sgt, %scan3A_55, %gt3A_81 : i32
      %convert_element_type3A_83 = arith.extui %gt3A_82 : i1 to i32
      %cond3A_84 = arith.constant 0 : i32
      %cond3A_85 = arith.cmpi ne, %convert_element_type3A_83, %cond3A_84 : i32
      scf.if %cond3A_85 {
        %dma_wait3A_123 = arith.constant 0 : i32
        %dma_wait3A_124 = tpu.memref_slice %arg10[%dma_wait3A_123] : memref<10240xf32, #tpu.memory_space<vmem_shared>> -> memref<10240xf32, #tpu.memory_space<vmem_shared>>
        tpu.wait_indirect_dma semaphore(%arg17 : memref<!tpu.dma_semaphore, #tpu.memory_space<semaphore_mem>>) src(%arg9 : memref<80xf32, #tpu.memory_space<vmem>>) dst(%dma_wait3A_124 : memref<10240xf32, #tpu.memory_space<vmem_shared>>)
      } else {
      }
      %add3A_86 = arith.constant 2 : i32
      %add3A_87 = arith.addi %mul3A_57, %add3A_86 : i32
      %mul3A_88 = arith.constant 80 : i32
      %mul3A_89 = arith.muli %add3A_87, %mul3A_88 : i32
      %add3A_90 = arith.addi %mul3A_32, %mul3A_89 : i32
      %multiple_of3A_91 = tpu.assume_multiple %add3A_90, 8 : i32
      %dma_start3A_92 = tpu.memref_slice %arg2[%multiple_of3A_91] : memref<320000xi32, #tpu.memory_space<hbm>> -> memref<80xi32, #tpu.memory_space<hbm>>
      %dma_start3A_93 = tpu.memref_slice %arg2[%multiple_of3A_91] : memref<320000xi32, #tpu.memory_space<hbm>> -> memref<80xi32, #tpu.memory_space<hbm>>
      tpu.enqueue_dma source(%dma_start3A_93 : memref<80xi32, #tpu.memory_space<hbm>>) target(%arg7 : memref<80xi32, #tpu.memory_space<vmem>>) target_semaphore(%arg13 : memref<!tpu.dma_semaphore, #tpu.memory_space<semaphore_mem>>)
      %gt3A_94 = arith.constant 0 : i32
      %gt3A_95 = arith.cmpi sgt, %scan3A_55, %gt3A_94 : i32
      %convert_element_type3A_96 = arith.extui %gt3A_95 : i1 to i32
      %cond3A_97 = arith.constant 0 : i32
      %cond3A_98 = arith.cmpi ne, %convert_element_type3A_96, %cond3A_97 : i32
      scf.if %cond3A_98 {
        %dma_wait3A_123 = arith.constant 0 : i32
        %dma_wait3A_124 = tpu.memref_slice %arg10[%dma_wait3A_123] : memref<10240xf32, #tpu.memory_space<vmem_shared>> -> memref<10240xf32, #tpu.memory_space<vmem_shared>>
        tpu.wait_indirect_dma semaphore(%arg18 : memref<!tpu.dma_semaphore, #tpu.memory_space<semaphore_mem>>) src(%arg9 : memref<80xf32, #tpu.memory_space<vmem>>) dst(%dma_wait3A_124 : memref<10240xf32, #tpu.memory_space<vmem_shared>>)
      } else {
      }
      %add3A_99 = arith.constant 3 : i32
      %add3A_100 = arith.addi %mul3A_57, %add3A_99 : i32
      %mul3A_101 = arith.constant 80 : i32
      %mul3A_102 = arith.muli %add3A_100, %mul3A_101 : i32
      %add3A_103 = arith.addi %mul3A_32, %mul3A_102 : i32
      %multiple_of3A_104 = tpu.assume_multiple %add3A_103, 8 : i32
      %dma_start3A_105 = tpu.memref_slice %arg2[%multiple_of3A_104] : memref<320000xi32, #tpu.memory_space<hbm>> -> memref<80xi32, #tpu.memory_space<hbm>>
      %dma_start3A_106 = tpu.memref_slice %arg2[%multiple_of3A_104] : memref<320000xi32, #tpu.memory_space<hbm>> -> memref<80xi32, #tpu.memory_space<hbm>>
      tpu.enqueue_dma source(%dma_start3A_106 : memref<80xi32, #tpu.memory_space<hbm>>) target(%arg8 : memref<80xi32, #tpu.memory_space<vmem>>) target_semaphore(%arg14 : memref<!tpu.dma_semaphore, #tpu.memory_space<semaphore_mem>>)
      %dma_wait3A_107 = tpu.memref_slice %arg2[%multiple_of3A_65] : memref<320000xi32, #tpu.memory_space<hbm>> -> memref<80xi32, #tpu.memory_space<hbm>>
      %dma_wait3A_108 = tpu.memref_slice %arg2[%multiple_of3A_65] : memref<320000xi32, #tpu.memory_space<hbm>> -> memref<80xi32, #tpu.memory_space<hbm>>
      tpu.wait_dma2 semaphore(%arg11 : memref<!tpu.dma_semaphore, #tpu.memory_space<semaphore_mem>>) src(%dma_wait3A_108 : memref<80xi32, #tpu.memory_space<hbm>>) dst(%arg5 : memref<80xi32, #tpu.memory_space<vmem>>)
      %dma_start3A_109 = arith.constant 0 : i32
      %dma_start3A_110 = tpu.memref_slice %arg10[%dma_start3A_109] : memref<10240xf32, #tpu.memory_space<vmem_shared>> -> memref<10240xf32, #tpu.memory_space<vmem_shared>>
      tpu.enqueue_indirect_dma source(%arg9 : memref<80xf32, #tpu.memory_space<vmem>>) target(%dma_start3A_110 : memref<10240xf32, #tpu.memory_space<vmem_shared>>) offsets(%arg5 : memref<80xi32, #tpu.memory_space<vmem>>) semaphore(%arg15 : memref<!tpu.dma_semaphore, #tpu.memory_space<semaphore_mem>>) {add = true}
      %dma_wait3A_111 = tpu.memref_slice %arg2[%multiple_of3A_78] : memref<320000xi32, #tpu.memory_space<hbm>> -> memref<80xi32, #tpu.memory_space<hbm>>
      %dma_wait3A_112 = tpu.memref_slice %arg2[%multiple_of3A_78] : memref<320000xi32, #tpu.memory_space<hbm>> -> memref<80xi32, #tpu.memory_space<hbm>>
      tpu.wait_dma2 semaphore(%arg12 : memref<!tpu.dma_semaphore, #tpu.memory_space<semaphore_mem>>) src(%dma_wait3A_112 : memref<80xi32, #tpu.memory_space<hbm>>) dst(%arg6 : memref<80xi32, #tpu.memory_space<vmem>>)
      %dma_start3A_113 = arith.constant 0 : i32
      %dma_start3A_114 = tpu.memref_slice %arg10[%dma_start3A_113] : memref<10240xf32, #tpu.memory_space<vmem_shared>> -> memref<10240xf32, #tpu.memory_space<vmem_shared>>
      tpu.enqueue_indirect_dma source(%arg9 : memref<80xf32, #tpu.memory_space<vmem>>) target(%dma_start3A_114 : memref<10240xf32, #tpu.memory_space<vmem_shared>>) offsets(%arg6 : memref<80xi32, #tpu.memory_space<vmem>>) semaphore(%arg16 : memref<!tpu.dma_semaphore, #tpu.memory_space<semaphore_mem>>) {add = true}
      %dma_wait3A_115 = tpu.memref_slice %arg2[%multiple_of3A_91] : memref<320000xi32, #tpu.memory_space<hbm>> -> memref<80xi32, #tpu.memory_space<hbm>>
      %dma_wait3A_116 = tpu.memref_slice %arg2[%multiple_of3A_91] : memref<320000xi32, #tpu.memory_space<hbm>> -> memref<80xi32, #tpu.memory_space<hbm>>
      tpu.wait_dma2 semaphore(%arg13 : memref<!tpu.dma_semaphore, #tpu.memory_space<semaphore_mem>>) src(%dma_wait3A_116 : memref<80xi32, #tpu.memory_space<hbm>>) dst(%arg7 : memref<80xi32, #tpu.memory_space<vmem>>)
      %dma_start3A_117 = arith.constant 0 : i32
      %dma_start3A_118 = tpu.memref_slice %arg10[%dma_start3A_117] : memref<10240xf32, #tpu.memory_space<vmem_shared>> -> memref<10240xf32, #tpu.memory_space<vmem_shared>>
      tpu.enqueue_indirect_dma source(%arg9 : memref<80xf32, #tpu.memory_space<vmem>>) target(%dma_start3A_118 : memref<10240xf32, #tpu.memory_space<vmem_shared>>) offsets(%arg7 : memref<80xi32, #tpu.memory_space<vmem>>) semaphore(%arg17 : memref<!tpu.dma_semaphore, #tpu.memory_space<semaphore_mem>>) {add = true}
      %dma_wait3A_119 = tpu.memref_slice %arg2[%multiple_of3A_104] : memref<320000xi32, #tpu.memory_space<hbm>> -> memref<80xi32, #tpu.memory_space<hbm>>
      %dma_wait3A_120 = tpu.memref_slice %arg2[%multiple_of3A_104] : memref<320000xi32, #tpu.memory_space<hbm>> -> memref<80xi32, #tpu.memory_space<hbm>>
      tpu.wait_dma2 semaphore(%arg14 : memref<!tpu.dma_semaphore, #tpu.memory_space<semaphore_mem>>) src(%dma_wait3A_120 : memref<80xi32, #tpu.memory_space<hbm>>) dst(%arg8 : memref<80xi32, #tpu.memory_space<vmem>>)
      %dma_start3A_121 = arith.constant 0 : i32
      %dma_start3A_122 = tpu.memref_slice %arg10[%dma_start3A_121] : memref<10240xf32, #tpu.memory_space<vmem_shared>> -> memref<10240xf32, #tpu.memory_space<vmem_shared>>
      tpu.enqueue_indirect_dma source(%arg9 : memref<80xf32, #tpu.memory_space<vmem>>) target(%dma_start3A_122 : memref<10240xf32, #tpu.memory_space<vmem_shared>>) offsets(%arg8 : memref<80xi32, #tpu.memory_space<vmem>>) semaphore(%arg18 : memref<!tpu.dma_semaphore, #tpu.memory_space<semaphore_mem>>) {add = true}
    }
    %scan3A_37 = arith.constant 31 : i32
    %dma_wait3A = arith.constant 0 : i32
    %dma_wait3A_38 = tpu.memref_slice %arg10[%dma_wait3A] : memref<10240xf32, #tpu.memory_space<vmem_shared>> -> memref<10240xf32, #tpu.memory_space<vmem_shared>>
    tpu.wait_indirect_dma semaphore(%arg15 : memref<!tpu.dma_semaphore, #tpu.memory_space<semaphore_mem>>) src(%arg9 : memref<80xf32, #tpu.memory_space<vmem>>) dst(%dma_wait3A_38 : memref<10240xf32, #tpu.memory_space<vmem_shared>>)
    %dma_wait3A_39 = arith.constant 0 : i32
    %dma_wait3A_40 = tpu.memref_slice %arg10[%dma_wait3A_39] : memref<10240xf32, #tpu.memory_space<vmem_shared>> -> memref<10240xf32, #tpu.memory_space<vmem_shared>>
    tpu.wait_indirect_dma semaphore(%arg16 : memref<!tpu.dma_semaphore, #tpu.memory_space<semaphore_mem>>) src(%arg9 : memref<80xf32, #tpu.memory_space<vmem>>) dst(%dma_wait3A_40 : memref<10240xf32, #tpu.memory_space<vmem_shared>>)
    %dma_wait3A_41 = arith.constant 0 : i32
    %dma_wait3A_42 = tpu.memref_slice %arg10[%dma_wait3A_41] : memref<10240xf32, #tpu.memory_space<vmem_shared>> -> memref<10240xf32, #tpu.memory_space<vmem_shared>>
    tpu.wait_indirect_dma semaphore(%arg17 : memref<!tpu.dma_semaphore, #tpu.memory_space<semaphore_mem>>) src(%arg9 : memref<80xf32, #tpu.memory_space<vmem>>) dst(%dma_wait3A_42 : memref<10240xf32, #tpu.memory_space<vmem_shared>>)
    %dma_wait3A_43 = arith.constant 0 : i32
    %dma_wait3A_44 = tpu.memref_slice %arg10[%dma_wait3A_43] : memref<10240xf32, #tpu.memory_space<vmem_shared>> -> memref<10240xf32, #tpu.memory_space<vmem_shared>>
    tpu.wait_indirect_dma semaphore(%arg18 : memref<!tpu.dma_semaphore, #tpu.memory_space<semaphore_mem>>) src(%arg9 : memref<80xf32, #tpu.memory_space<vmem>>) dst(%dma_wait3A_44 : memref<10240xf32, #tpu.memory_space<vmem_shared>>)
    %add3A_45 = arith.constant 9920 : i32
    %add3A_46 = arith.addi %mul3A_32, %add3A_45 : i32
    %multiple_of3A = tpu.assume_multiple %add3A_46, 8 : i32
    %dma_start3A = tpu.memref_slice %arg2[%multiple_of3A] : memref<320000xi32, #tpu.memory_space<hbm>> -> memref<80xi32, #tpu.memory_space<hbm>>
    %dma_start3A_47 = tpu.memref_slice %arg2[%multiple_of3A] : memref<320000xi32, #tpu.memory_space<hbm>> -> memref<80xi32, #tpu.memory_space<hbm>>
    tpu.enqueue_dma source(%dma_start3A_47 : memref<80xi32, #tpu.memory_space<hbm>>) target(%arg5 : memref<80xi32, #tpu.memory_space<vmem>>) target_semaphore(%arg11 : memref<!tpu.dma_semaphore, #tpu.memory_space<semaphore_mem>>)
    %dma_wait3A_48 = tpu.memref_slice %arg2[%multiple_of3A] : memref<320000xi32, #tpu.memory_space<hbm>> -> memref<80xi32, #tpu.memory_space<hbm>>
    %dma_wait3A_49 = tpu.memref_slice %arg2[%multiple_of3A] : memref<320000xi32, #tpu.memory_space<hbm>> -> memref<80xi32, #tpu.memory_space<hbm>>
    tpu.wait_dma2 semaphore(%arg11 : memref<!tpu.dma_semaphore, #tpu.memory_space<semaphore_mem>>) src(%dma_wait3A_49 : memref<80xi32, #tpu.memory_space<hbm>>) dst(%arg5 : memref<80xi32, #tpu.memory_space<vmem>>)
    %dma_start3A_50 = arith.constant 0 : i32
    %dma_start3A_51 = tpu.memref_slice %arg10[%dma_start3A_50] : memref<10240xf32, #tpu.memory_space<vmem_shared>> -> memref<10240xf32, #tpu.memory_space<vmem_shared>>
    tpu.enqueue_indirect_dma source(%arg9 : memref<80xf32, #tpu.memory_space<vmem>>) target(%dma_start3A_51 : memref<10240xf32, #tpu.memory_space<vmem_shared>>) offsets(%arg5 : memref<80xi32, #tpu.memory_space<vmem>>) semaphore(%arg15 : memref<!tpu.dma_semaphore, #tpu.memory_space<semaphore_mem>>) {add = true}
    %dma_wait3A_52 = arith.constant 0 : i32
    %dma_wait3A_53 = tpu.memref_slice %arg10[%dma_wait3A_52] : memref<10240xf32, #tpu.memory_space<vmem_shared>> -> memref<10240xf32, #tpu.memory_space<vmem_shared>>
    tpu.wait_indirect_dma semaphore(%arg15 : memref<!tpu.dma_semaphore, #tpu.memory_space<semaphore_mem>>) src(%arg9 : memref<80xf32, #tpu.memory_space<vmem>>) dst(%dma_wait3A_53 : memref<10240xf32, #tpu.memory_space<vmem_shared>>)
    %barrier3A_54 = arith.constant 0 : index
    tpu.barrier barrier_id(%barrier3A_54)
    "tpu.region"() ({
      %run_scoped3A = tpu.sem_alloc : memref<!tpu.dma_semaphore, #tpu.memory_space<semaphore_mem>>
      %dma_start3A_55 = tpu.memref_slice %arg4[%arg0, %mul3A_2] : memref<2x10240xf32, #tpu.memory_space<hbm>> -> memref<1x640xf32, #tpu.memory_space<hbm>>
      %dma_start3A_56 = tpu.memref_squeeze %dma_start3A_55 : memref<1x640xf32, #tpu.memory_space<hbm>> -> memref<640xf32, #tpu.memory_space<hbm>>
      %dma_start3A_57 = tpu.memref_slice %arg10[%mul3A_2] : memref<10240xf32, #tpu.memory_space<vmem_shared>> -> memref<640xf32, #tpu.memory_space<vmem_shared>>
      tpu.enqueue_dma source(%dma_start3A_57 : memref<640xf32, #tpu.memory_space<vmem_shared>>) target(%dma_start3A_56 : memref<640xf32, #tpu.memory_space<hbm>>) target_semaphore(%run_scoped3A : memref<!tpu.dma_semaphore, #tpu.memory_space<semaphore_mem>>)
      %dma_wait3A_58 = tpu.memref_slice %arg4[%arg0, %mul3A_2] : memref<2x10240xf32, #tpu.memory_space<hbm>> -> memref<1x640xf32, #tpu.memory_space<hbm>>
      %dma_wait3A_59 = tpu.memref_squeeze %dma_wait3A_58 : memref<1x640xf32, #tpu.memory_space<hbm>> -> memref<640xf32, #tpu.memory_space<hbm>>
      %dma_wait3A_60 = tpu.memref_slice %arg10[%mul3A_2] : memref<10240xf32, #tpu.memory_space<vmem_shared>> -> memref<640xf32, #tpu.memory_space<vmem_shared>>
      tpu.wait_dma2 semaphore(%run_scoped3A : memref<!tpu.dma_semaphore, #tpu.memory_space<semaphore_mem>>) src(%dma_wait3A_60 : memref<640xf32, #tpu.memory_space<vmem_shared>>) dst(%dma_wait3A_59 : memref<640xf32, #tpu.memory_space<hbm>>)
      tpu.yield
    }) : () -> ()
    return
  }
}

#map = affine_map<(d0, d1) -> (0, 0)>
#map1 = affine_map<(d0, d1) -> (0)>
#map2 = affine_map<(d0, d1) -> (0, 0, 0)>
module attributes {stable_mosaic.version = 14 : i64} {
  func.func @_agg_body(%arg0: i32, %arg1: i32, %arg2: memref<10240x128xf32, #tpu.memory_space<hbm>>, %arg3: memref<320000xi32, #tpu.memory_space<hbm>>, %arg4: memref<320000xi32, #tpu.memory_space<hbm>>, %arg5: memref<640x128xf32, #tpu.memory_space<hbm>>, %arg6: memref<2x10240x128xf32, #tpu.memory_space<hbm>>, %arg7: memref<80xi32, #tpu.memory_space<vmem>>, %arg8: memref<80xi32, #tpu.memory_space<vmem>>, %arg9: memref<80xi32, #tpu.memory_space<vmem>>, %arg10: memref<80xi32, #tpu.memory_space<vmem>>, %arg11: memref<80xi32, #tpu.memory_space<vmem>>, %arg12: memref<80xi32, #tpu.memory_space<vmem>>, %arg13: memref<80xi32, #tpu.memory_space<vmem>>, %arg14: memref<80xi32, #tpu.memory_space<vmem>>, %arg15: memref<8xi32, #tpu.memory_space<vmem>>, %arg16: memref<8xi32, #tpu.memory_space<vmem>>, %arg17: memref<80x128xf32, #tpu.memory_space<vmem>>, %arg18: memref<80x128xf32, #tpu.memory_space<vmem>>, %arg19: memref<80x128xf32, #tpu.memory_space<vmem>>, %arg20: memref<80x128xf32, #tpu.memory_space<vmem>>, %arg21: memref<10240x128xf32, #tpu.memory_space<vmem_shared>>, %arg22: memref<!tpu.dma_semaphore, #tpu.memory_space<semaphore_mem>>, %arg23: memref<!tpu.dma_semaphore, #tpu.memory_space<semaphore_mem>>, %arg24: memref<!tpu.dma_semaphore, #tpu.memory_space<semaphore_mem>>, %arg25: memref<!tpu.dma_semaphore, #tpu.memory_space<semaphore_mem>>, %arg26: memref<!tpu.dma_semaphore, #tpu.memory_space<semaphore_mem>>, %arg27: memref<!tpu.dma_semaphore, #tpu.memory_space<semaphore_mem>>, %arg28: memref<!tpu.dma_semaphore, #tpu.memory_space<semaphore_mem>>, %arg29: memref<!tpu.dma_semaphore, #tpu.memory_space<semaphore_mem>>, %arg30: memref<!tpu.dma_semaphore, #tpu.memory_space<semaphore_mem>>, %arg31: memref<!tpu.dma_semaphore, #tpu.memory_space<semaphore_mem>>, %arg32: memref<!tpu.dma_semaphore, #tpu.memory_space<semaphore_mem>>, %arg33: memref<!tpu.dma_semaphore, #tpu.memory_space<semaphore_mem>>) attributes {dimension_semantics = [#tpu.dimension_semantics<core_parallel>, #tpu.dimension_semantics<subcore_parallel>], iteration_bounds = array<i64: 2, 16>, scalar_prefetch = 0 : i64, scratch_operands = 27 : i64, tpu.core_type = #tpu.core_type<sc_vector_subcore>, window_params = [{transform_indices = #map}, {transform_indices = #map1}, {transform_indices = #map1}, {transform_indices = #map}, {transform_indices = #map2}]} {
    %mul3A = arith.constant 16 : i32
    %mul3A_0 = arith.muli %arg0, %mul3A : i32
    %add3A = arith.addi %mul3A_0, %arg1 : i32
    %mul3A_1 = arith.constant 640 : i32
    %mul3A_2 = arith.muli %arg1, %mul3A_1 : i32
    "tpu.region"() ({
      %run_scoped3A = tpu.sem_alloc : memref<!tpu.dma_semaphore, #tpu.memory_space<semaphore_mem>>
      %dma_start3A_37 = arith.constant 0 : i32
      %dma_start3A_38 = tpu.memref_slice %arg21[%mul3A_2, %dma_start3A_37] : memref<10240x128xf32, #tpu.memory_space<vmem_shared>> -> memref<640x128xf32, #tpu.memory_space<vmem_shared>>
      tpu.enqueue_dma source(%arg5 : memref<640x128xf32, #tpu.memory_space<hbm>>) target(%dma_start3A_38 : memref<640x128xf32, #tpu.memory_space<vmem_shared>>) target_semaphore(%run_scoped3A : memref<!tpu.dma_semaphore, #tpu.memory_space<semaphore_mem>>)
      %dma_wait3A_39 = arith.constant 0 : i32
      %dma_wait3A_40 = tpu.memref_slice %arg21[%mul3A_2, %dma_wait3A_39] : memref<10240x128xf32, #tpu.memory_space<vmem_shared>> -> memref<640x128xf32, #tpu.memory_space<vmem_shared>>
      tpu.wait_dma2 semaphore(%run_scoped3A : memref<!tpu.dma_semaphore, #tpu.memory_space<semaphore_mem>>) src(%arg5 : memref<640x128xf32, #tpu.memory_space<hbm>>) dst(%dma_wait3A_40 : memref<640x128xf32, #tpu.memory_space<vmem_shared>>)
      tpu.yield
    }) : () -> ()
    %barrier3A = arith.constant 0 : index
    tpu.barrier barrier_id(%barrier3A)
    %mul3A_3 = arith.constant 10000 : i32
    %mul3A_4 = arith.muli %add3A, %mul3A_3 : i32
    %scan3A = arith.constant 0 : i32
    %scan3A_5 = arith.constant 0 : i32
    %scan3A_6 = arith.constant 31 : i32
    %scan3A_7 = arith.addi %scan3A_5, %scan3A_6 : i32
    %scan3A_8 = arith.constant 1 : i32
    scf.for %scan3A_37 = %scan3A_5 to %scan3A_7 step %scan3A_8  : i32 {
      %mul3A_38 = arith.constant 4 : i32
      %mul3A_39 = arith.muli %scan3A_37, %mul3A_38 : i32
      %gt3A = arith.constant 0 : i32
      %gt3A_40 = arith.cmpi sgt, %scan3A_37, %gt3A : i32
      %convert_element_type3A = arith.extui %gt3A_40 : i1 to i32
      %cond3A = arith.constant 0 : i32
      %cond3A_41 = arith.cmpi ne, %convert_element_type3A, %cond3A : i32
      scf.if %cond3A_41 {
        %dma_wait3A_149 = arith.constant 0 : i32
        %dma_wait3A_150 = arith.constant 0 : i32
        %dma_wait3A_151 = tpu.memref_slice %arg21[%dma_wait3A_149, %dma_wait3A_150] : memref<10240x128xf32, #tpu.memory_space<vmem_shared>> -> memref<10240x128xf32, #tpu.memory_space<vmem_shared>>
        tpu.wait_indirect_dma semaphore(%arg30 : memref<!tpu.dma_semaphore, #tpu.memory_space<semaphore_mem>>) src(%arg17 : memref<80x128xf32, #tpu.memory_space<vmem>>) dst(%dma_wait3A_151 : memref<10240x128xf32, #tpu.memory_space<vmem_shared>>)
      } else {
      }
      %add3A_42 = arith.constant 0 : i32
      %add3A_43 = arith.addi %mul3A_39, %add3A_42 : i32
      %mul3A_44 = arith.constant 80 : i32
      %mul3A_45 = arith.muli %add3A_43, %mul3A_44 : i32
      %add3A_46 = arith.addi %mul3A_4, %mul3A_45 : i32
      %multiple_of3A_47 = tpu.assume_multiple %add3A_46, 8 : i32
      %dma_start3A_48 = tpu.memref_slice %arg3[%multiple_of3A_47] : memref<320000xi32, #tpu.memory_space<hbm>> -> memref<80xi32, #tpu.memory_space<hbm>>
      %dma_start3A_49 = tpu.memref_slice %arg3[%multiple_of3A_47] : memref<320000xi32, #tpu.memory_space<hbm>> -> memref<80xi32, #tpu.memory_space<hbm>>
      tpu.enqueue_dma source(%dma_start3A_49 : memref<80xi32, #tpu.memory_space<hbm>>) target(%arg7 : memref<80xi32, #tpu.memory_space<vmem>>) target_semaphore(%arg22 : memref<!tpu.dma_semaphore, #tpu.memory_space<semaphore_mem>>)
      %dma_start3A_50 = tpu.memref_slice %arg4[%multiple_of3A_47] : memref<320000xi32, #tpu.memory_space<hbm>> -> memref<80xi32, #tpu.memory_space<hbm>>
      %dma_start3A_51 = tpu.memref_slice %arg4[%multiple_of3A_47] : memref<320000xi32, #tpu.memory_space<hbm>> -> memref<80xi32, #tpu.memory_space<hbm>>
      tpu.enqueue_dma source(%dma_start3A_51 : memref<80xi32, #tpu.memory_space<hbm>>) target(%arg11 : memref<80xi32, #tpu.memory_space<vmem>>) target_semaphore(%arg22 : memref<!tpu.dma_semaphore, #tpu.memory_space<semaphore_mem>>)
      %gt3A_52 = arith.constant 0 : i32
      %gt3A_53 = arith.cmpi sgt, %scan3A_37, %gt3A_52 : i32
      %convert_element_type3A_54 = arith.extui %gt3A_53 : i1 to i32
      %cond3A_55 = arith.constant 0 : i32
      %cond3A_56 = arith.cmpi ne, %convert_element_type3A_54, %cond3A_55 : i32
      scf.if %cond3A_56 {
        %dma_wait3A_149 = arith.constant 0 : i32
        %dma_wait3A_150 = arith.constant 0 : i32
        %dma_wait3A_151 = tpu.memref_slice %arg21[%dma_wait3A_149, %dma_wait3A_150] : memref<10240x128xf32, #tpu.memory_space<vmem_shared>> -> memref<10240x128xf32, #tpu.memory_space<vmem_shared>>
        tpu.wait_indirect_dma semaphore(%arg31 : memref<!tpu.dma_semaphore, #tpu.memory_space<semaphore_mem>>) src(%arg18 : memref<80x128xf32, #tpu.memory_space<vmem>>) dst(%dma_wait3A_151 : memref<10240x128xf32, #tpu.memory_space<vmem_shared>>)
      } else {
      }
      %add3A_57 = arith.constant 1 : i32
      %add3A_58 = arith.addi %mul3A_39, %add3A_57 : i32
      %mul3A_59 = arith.constant 80 : i32
      %mul3A_60 = arith.muli %add3A_58, %mul3A_59 : i32
      %add3A_61 = arith.addi %mul3A_4, %mul3A_60 : i32
      %multiple_of3A_62 = tpu.assume_multiple %add3A_61, 8 : i32
      %dma_start3A_63 = tpu.memref_slice %arg3[%multiple_of3A_62] : memref<320000xi32, #tpu.memory_space<hbm>> -> memref<80xi32, #tpu.memory_space<hbm>>
      %dma_start3A_64 = tpu.memref_slice %arg3[%multiple_of3A_62] : memref<320000xi32, #tpu.memory_space<hbm>> -> memref<80xi32, #tpu.memory_space<hbm>>
      tpu.enqueue_dma source(%dma_start3A_64 : memref<80xi32, #tpu.memory_space<hbm>>) target(%arg8 : memref<80xi32, #tpu.memory_space<vmem>>) target_semaphore(%arg23 : memref<!tpu.dma_semaphore, #tpu.memory_space<semaphore_mem>>)
      %dma_start3A_65 = tpu.memref_slice %arg4[%multiple_of3A_62] : memref<320000xi32, #tpu.memory_space<hbm>> -> memref<80xi32, #tpu.memory_space<hbm>>
      %dma_start3A_66 = tpu.memref_slice %arg4[%multiple_of3A_62] : memref<320000xi32, #tpu.memory_space<hbm>> -> memref<80xi32, #tpu.memory_space<hbm>>
      tpu.enqueue_dma source(%dma_start3A_66 : memref<80xi32, #tpu.memory_space<hbm>>) target(%arg12 : memref<80xi32, #tpu.memory_space<vmem>>) target_semaphore(%arg23 : memref<!tpu.dma_semaphore, #tpu.memory_space<semaphore_mem>>)
      %gt3A_67 = arith.constant 0 : i32
      %gt3A_68 = arith.cmpi sgt, %scan3A_37, %gt3A_67 : i32
      %convert_element_type3A_69 = arith.extui %gt3A_68 : i1 to i32
      %cond3A_70 = arith.constant 0 : i32
      %cond3A_71 = arith.cmpi ne, %convert_element_type3A_69, %cond3A_70 : i32
      scf.if %cond3A_71 {
        %dma_wait3A_149 = arith.constant 0 : i32
        %dma_wait3A_150 = arith.constant 0 : i32
        %dma_wait3A_151 = tpu.memref_slice %arg21[%dma_wait3A_149, %dma_wait3A_150] : memref<10240x128xf32, #tpu.memory_space<vmem_shared>> -> memref<10240x128xf32, #tpu.memory_space<vmem_shared>>
        tpu.wait_indirect_dma semaphore(%arg32 : memref<!tpu.dma_semaphore, #tpu.memory_space<semaphore_mem>>) src(%arg19 : memref<80x128xf32, #tpu.memory_space<vmem>>) dst(%dma_wait3A_151 : memref<10240x128xf32, #tpu.memory_space<vmem_shared>>)
      } else {
      }
      %add3A_72 = arith.constant 2 : i32
      %add3A_73 = arith.addi %mul3A_39, %add3A_72 : i32
      %mul3A_74 = arith.constant 80 : i32
      %mul3A_75 = arith.muli %add3A_73, %mul3A_74 : i32
      %add3A_76 = arith.addi %mul3A_4, %mul3A_75 : i32
      %multiple_of3A_77 = tpu.assume_multiple %add3A_76, 8 : i32
      %dma_start3A_78 = tpu.memref_slice %arg3[%multiple_of3A_77] : memref<320000xi32, #tpu.memory_space<hbm>> -> memref<80xi32, #tpu.memory_space<hbm>>
      %dma_start3A_79 = tpu.memref_slice %arg3[%multiple_of3A_77] : memref<320000xi32, #tpu.memory_space<hbm>> -> memref<80xi32, #tpu.memory_space<hbm>>
      tpu.enqueue_dma source(%dma_start3A_79 : memref<80xi32, #tpu.memory_space<hbm>>) target(%arg9 : memref<80xi32, #tpu.memory_space<vmem>>) target_semaphore(%arg24 : memref<!tpu.dma_semaphore, #tpu.memory_space<semaphore_mem>>)
      %dma_start3A_80 = tpu.memref_slice %arg4[%multiple_of3A_77] : memref<320000xi32, #tpu.memory_space<hbm>> -> memref<80xi32, #tpu.memory_space<hbm>>
      %dma_start3A_81 = tpu.memref_slice %arg4[%multiple_of3A_77] : memref<320000xi32, #tpu.memory_space<hbm>> -> memref<80xi32, #tpu.memory_space<hbm>>
      tpu.enqueue_dma source(%dma_start3A_81 : memref<80xi32, #tpu.memory_space<hbm>>) target(%arg13 : memref<80xi32, #tpu.memory_space<vmem>>) target_semaphore(%arg24 : memref<!tpu.dma_semaphore, #tpu.memory_space<semaphore_mem>>)
      %gt3A_82 = arith.constant 0 : i32
      %gt3A_83 = arith.cmpi sgt, %scan3A_37, %gt3A_82 : i32
      %convert_element_type3A_84 = arith.extui %gt3A_83 : i1 to i32
      %cond3A_85 = arith.constant 0 : i32
      %cond3A_86 = arith.cmpi ne, %convert_element_type3A_84, %cond3A_85 : i32
      scf.if %cond3A_86 {
        %dma_wait3A_149 = arith.constant 0 : i32
        %dma_wait3A_150 = arith.constant 0 : i32
        %dma_wait3A_151 = tpu.memref_slice %arg21[%dma_wait3A_149, %dma_wait3A_150] : memref<10240x128xf32, #tpu.memory_space<vmem_shared>> -> memref<10240x128xf32, #tpu.memory_space<vmem_shared>>
        tpu.wait_indirect_dma semaphore(%arg33 : memref<!tpu.dma_semaphore, #tpu.memory_space<semaphore_mem>>) src(%arg20 : memref<80x128xf32, #tpu.memory_space<vmem>>) dst(%dma_wait3A_151 : memref<10240x128xf32, #tpu.memory_space<vmem_shared>>)
      } else {
      }
      %add3A_87 = arith.constant 3 : i32
      %add3A_88 = arith.addi %mul3A_39, %add3A_87 : i32
      %mul3A_89 = arith.constant 80 : i32
      %mul3A_90 = arith.muli %add3A_88, %mul3A_89 : i32
      %add3A_91 = arith.addi %mul3A_4, %mul3A_90 : i32
      %multiple_of3A_92 = tpu.assume_multiple %add3A_91, 8 : i32
      %dma_start3A_93 = tpu.memref_slice %arg3[%multiple_of3A_92] : memref<320000xi32, #tpu.memory_space<hbm>> -> memref<80xi32, #tpu.memory_space<hbm>>
      %dma_start3A_94 = tpu.memref_slice %arg3[%multiple_of3A_92] : memref<320000xi32, #tpu.memory_space<hbm>> -> memref<80xi32, #tpu.memory_space<hbm>>
      tpu.enqueue_dma source(%dma_start3A_94 : memref<80xi32, #tpu.memory_space<hbm>>) target(%arg10 : memref<80xi32, #tpu.memory_space<vmem>>) target_semaphore(%arg25 : memref<!tpu.dma_semaphore, #tpu.memory_space<semaphore_mem>>)
      %dma_start3A_95 = tpu.memref_slice %arg4[%multiple_of3A_92] : memref<320000xi32, #tpu.memory_space<hbm>> -> memref<80xi32, #tpu.memory_space<hbm>>
      %dma_start3A_96 = tpu.memref_slice %arg4[%multiple_of3A_92] : memref<320000xi32, #tpu.memory_space<hbm>> -> memref<80xi32, #tpu.memory_space<hbm>>
      tpu.enqueue_dma source(%dma_start3A_96 : memref<80xi32, #tpu.memory_space<hbm>>) target(%arg14 : memref<80xi32, #tpu.memory_space<vmem>>) target_semaphore(%arg25 : memref<!tpu.dma_semaphore, #tpu.memory_space<semaphore_mem>>)
      %dma_wait3A_97 = tpu.memref_slice %arg3[%multiple_of3A_47] : memref<320000xi32, #tpu.memory_space<hbm>> -> memref<80xi32, #tpu.memory_space<hbm>>
      %dma_wait3A_98 = tpu.memref_slice %arg3[%multiple_of3A_47] : memref<320000xi32, #tpu.memory_space<hbm>> -> memref<80xi32, #tpu.memory_space<hbm>>
      tpu.wait_dma2 semaphore(%arg22 : memref<!tpu.dma_semaphore, #tpu.memory_space<semaphore_mem>>) src(%dma_wait3A_98 : memref<80xi32, #tpu.memory_space<hbm>>) dst(%arg7 : memref<80xi32, #tpu.memory_space<vmem>>)
      %dma_wait3A_99 = tpu.memref_slice %arg4[%multiple_of3A_47] : memref<320000xi32, #tpu.memory_space<hbm>> -> memref<80xi32, #tpu.memory_space<hbm>>
      %dma_wait3A_100 = tpu.memref_slice %arg4[%multiple_of3A_47] : memref<320000xi32, #tpu.memory_space<hbm>> -> memref<80xi32, #tpu.memory_space<hbm>>
      tpu.wait_dma2 semaphore(%arg22 : memref<!tpu.dma_semaphore, #tpu.memory_space<semaphore_mem>>) src(%dma_wait3A_100 : memref<80xi32, #tpu.memory_space<hbm>>) dst(%arg11 : memref<80xi32, #tpu.memory_space<vmem>>)
      %dma_start3A_101 = arith.constant 0 : i32
      %dma_start3A_102 = arith.constant 0 : i32
      %dma_start3A_103 = tpu.memref_slice %arg2[%dma_start3A_101, %dma_start3A_102] : memref<10240x128xf32, #tpu.memory_space<hbm>> -> memref<10240x128xf32, #tpu.memory_space<hbm>>
      tpu.enqueue_indirect_dma source(%dma_start3A_103 : memref<10240x128xf32, #tpu.memory_space<hbm>>) target(%arg17 : memref<80x128xf32, #tpu.memory_space<vmem>>) offsets(%arg7 : memref<80xi32, #tpu.memory_space<vmem>>) semaphore(%arg26 : memref<!tpu.dma_semaphore, #tpu.memory_space<semaphore_mem>>)
      %dma_wait3A_104 = tpu.memref_slice %arg3[%multiple_of3A_62] : memref<320000xi32, #tpu.memory_space<hbm>> -> memref<80xi32, #tpu.memory_space<hbm>>
      %dma_wait3A_105 = tpu.memref_slice %arg3[%multiple_of3A_62] : memref<320000xi32, #tpu.memory_space<hbm>> -> memref<80xi32, #tpu.memory_space<hbm>>
      tpu.wait_dma2 semaphore(%arg23 : memref<!tpu.dma_semaphore, #tpu.memory_space<semaphore_mem>>) src(%dma_wait3A_105 : memref<80xi32, #tpu.memory_space<hbm>>) dst(%arg8 : memref<80xi32, #tpu.memory_space<vmem>>)
      %dma_wait3A_106 = tpu.memref_slice %arg4[%multiple_of3A_62] : memref<320000xi32, #tpu.memory_space<hbm>> -> memref<80xi32, #tpu.memory_space<hbm>>
      %dma_wait3A_107 = tpu.memref_slice %arg4[%multiple_of3A_62] : memref<320000xi32, #tpu.memory_space<hbm>> -> memref<80xi32, #tpu.memory_space<hbm>>
      tpu.wait_dma2 semaphore(%arg23 : memref<!tpu.dma_semaphore, #tpu.memory_space<semaphore_mem>>) src(%dma_wait3A_107 : memref<80xi32, #tpu.memory_space<hbm>>) dst(%arg12 : memref<80xi32, #tpu.memory_space<vmem>>)
      %dma_start3A_108 = arith.constant 0 : i32
      %dma_start3A_109 = arith.constant 0 : i32
      %dma_start3A_110 = tpu.memref_slice %arg2[%dma_start3A_108, %dma_start3A_109] : memref<10240x128xf32, #tpu.memory_space<hbm>> -> memref<10240x128xf32, #tpu.memory_space<hbm>>
      tpu.enqueue_indirect_dma source(%dma_start3A_110 : memref<10240x128xf32, #tpu.memory_space<hbm>>) target(%arg18 : memref<80x128xf32, #tpu.memory_space<vmem>>) offsets(%arg8 : memref<80xi32, #tpu.memory_space<vmem>>) semaphore(%arg27 : memref<!tpu.dma_semaphore, #tpu.memory_space<semaphore_mem>>)
      %dma_wait3A_111 = tpu.memref_slice %arg3[%multiple_of3A_77] : memref<320000xi32, #tpu.memory_space<hbm>> -> memref<80xi32, #tpu.memory_space<hbm>>
      %dma_wait3A_112 = tpu.memref_slice %arg3[%multiple_of3A_77] : memref<320000xi32, #tpu.memory_space<hbm>> -> memref<80xi32, #tpu.memory_space<hbm>>
      tpu.wait_dma2 semaphore(%arg24 : memref<!tpu.dma_semaphore, #tpu.memory_space<semaphore_mem>>) src(%dma_wait3A_112 : memref<80xi32, #tpu.memory_space<hbm>>) dst(%arg9 : memref<80xi32, #tpu.memory_space<vmem>>)
      %dma_wait3A_113 = tpu.memref_slice %arg4[%multiple_of3A_77] : memref<320000xi32, #tpu.memory_space<hbm>> -> memref<80xi32, #tpu.memory_space<hbm>>
      %dma_wait3A_114 = tpu.memref_slice %arg4[%multiple_of3A_77] : memref<320000xi32, #tpu.memory_space<hbm>> -> memref<80xi32, #tpu.memory_space<hbm>>
      tpu.wait_dma2 semaphore(%arg24 : memref<!tpu.dma_semaphore, #tpu.memory_space<semaphore_mem>>) src(%dma_wait3A_114 : memref<80xi32, #tpu.memory_space<hbm>>) dst(%arg13 : memref<80xi32, #tpu.memory_space<vmem>>)
      %dma_start3A_115 = arith.constant 0 : i32
      %dma_start3A_116 = arith.constant 0 : i32
      %dma_start3A_117 = tpu.memref_slice %arg2[%dma_start3A_115, %dma_start3A_116] : memref<10240x128xf32, #tpu.memory_space<hbm>> -> memref<10240x128xf32, #tpu.memory_space<hbm>>
      tpu.enqueue_indirect_dma source(%dma_start3A_117 : memref<10240x128xf32, #tpu.memory_space<hbm>>) target(%arg19 : memref<80x128xf32, #tpu.memory_space<vmem>>) offsets(%arg9 : memref<80xi32, #tpu.memory_space<vmem>>) semaphore(%arg28 : memref<!tpu.dma_semaphore, #tpu.memory_space<semaphore_mem>>)
      %dma_wait3A_118 = tpu.memref_slice %arg3[%multiple_of3A_92] : memref<320000xi32, #tpu.memory_space<hbm>> -> memref<80xi32, #tpu.memory_space<hbm>>
      %dma_wait3A_119 = tpu.memref_slice %arg3[%multiple_of3A_92] : memref<320000xi32, #tpu.memory_space<hbm>> -> memref<80xi32, #tpu.memory_space<hbm>>
      tpu.wait_dma2 semaphore(%arg25 : memref<!tpu.dma_semaphore, #tpu.memory_space<semaphore_mem>>) src(%dma_wait3A_119 : memref<80xi32, #tpu.memory_space<hbm>>) dst(%arg10 : memref<80xi32, #tpu.memory_space<vmem>>)
      %dma_wait3A_120 = tpu.memref_slice %arg4[%multiple_of3A_92] : memref<320000xi32, #tpu.memory_space<hbm>> -> memref<80xi32, #tpu.memory_space<hbm>>
      %dma_wait3A_121 = tpu.memref_slice %arg4[%multiple_of3A_92] : memref<320000xi32, #tpu.memory_space<hbm>> -> memref<80xi32, #tpu.memory_space<hbm>>
      tpu.wait_dma2 semaphore(%arg25 : memref<!tpu.dma_semaphore, #tpu.memory_space<semaphore_mem>>) src(%dma_wait3A_121 : memref<80xi32, #tpu.memory_space<hbm>>) dst(%arg14 : memref<80xi32, #tpu.memory_space<vmem>>)
      %dma_start3A_122 = arith.constant 0 : i32
      %dma_start3A_123 = arith.constant 0 : i32
      %dma_start3A_124 = tpu.memref_slice %arg2[%dma_start3A_122, %dma_start3A_123] : memref<10240x128xf32, #tpu.memory_space<hbm>> -> memref<10240x128xf32, #tpu.memory_space<hbm>>
      tpu.enqueue_indirect_dma source(%dma_start3A_124 : memref<10240x128xf32, #tpu.memory_space<hbm>>) target(%arg20 : memref<80x128xf32, #tpu.memory_space<vmem>>) offsets(%arg10 : memref<80xi32, #tpu.memory_space<vmem>>) semaphore(%arg29 : memref<!tpu.dma_semaphore, #tpu.memory_space<semaphore_mem>>)
      %dma_wait3A_125 = arith.constant 0 : i32
      %dma_wait3A_126 = arith.constant 0 : i32
      %dma_wait3A_127 = tpu.memref_slice %arg2[%dma_wait3A_125, %dma_wait3A_126] : memref<10240x128xf32, #tpu.memory_space<hbm>> -> memref<10240x128xf32, #tpu.memory_space<hbm>>
      tpu.wait_indirect_dma semaphore(%arg26 : memref<!tpu.dma_semaphore, #tpu.memory_space<semaphore_mem>>) src(%dma_wait3A_127 : memref<10240x128xf32, #tpu.memory_space<hbm>>) dst(%arg17 : memref<80x128xf32, #tpu.memory_space<vmem>>)
      %dma_start3A_128 = arith.constant 0 : i32
      %dma_start3A_129 = arith.constant 0 : i32
      %dma_start3A_130 = tpu.memref_slice %arg21[%dma_start3A_128, %dma_start3A_129] : memref<10240x128xf32, #tpu.memory_space<vmem_shared>> -> memref<10240x128xf32, #tpu.memory_space<vmem_shared>>
      tpu.enqueue_indirect_dma source(%arg17 : memref<80x128xf32, #tpu.memory_space<vmem>>) target(%dma_start3A_130 : memref<10240x128xf32, #tpu.memory_space<vmem_shared>>) offsets(%arg11 : memref<80xi32, #tpu.memory_space<vmem>>) semaphore(%arg30 : memref<!tpu.dma_semaphore, #tpu.memory_space<semaphore_mem>>) {add = true}
      %dma_wait3A_131 = arith.constant 0 : i32
      %dma_wait3A_132 = arith.constant 0 : i32
      %dma_wait3A_133 = tpu.memref_slice %arg2[%dma_wait3A_131, %dma_wait3A_132] : memref<10240x128xf32, #tpu.memory_space<hbm>> -> memref<10240x128xf32, #tpu.memory_space<hbm>>
      tpu.wait_indirect_dma semaphore(%arg27 : memref<!tpu.dma_semaphore, #tpu.memory_space<semaphore_mem>>) src(%dma_wait3A_133 : memref<10240x128xf32, #tpu.memory_space<hbm>>) dst(%arg18 : memref<80x128xf32, #tpu.memory_space<vmem>>)
      %dma_start3A_134 = arith.constant 0 : i32
      %dma_start3A_135 = arith.constant 0 : i32
      %dma_start3A_136 = tpu.memref_slice %arg21[%dma_start3A_134, %dma_start3A_135] : memref<10240x128xf32, #tpu.memory_space<vmem_shared>> -> memref<10240x128xf32, #tpu.memory_space<vmem_shared>>
      tpu.enqueue_indirect_dma source(%arg18 : memref<80x128xf32, #tpu.memory_space<vmem>>) target(%dma_start3A_136 : memref<10240x128xf32, #tpu.memory_space<vmem_shared>>) offsets(%arg12 : memref<80xi32, #tpu.memory_space<vmem>>) semaphore(%arg31 : memref<!tpu.dma_semaphore, #tpu.memory_space<semaphore_mem>>) {add = true}
      %dma_wait3A_137 = arith.constant 0 : i32
      %dma_wait3A_138 = arith.constant 0 : i32
      %dma_wait3A_139 = tpu.memref_slice %arg2[%dma_wait3A_137, %dma_wait3A_138] : memref<10240x128xf32, #tpu.memory_space<hbm>> -> memref<10240x128xf32, #tpu.memory_space<hbm>>
      tpu.wait_indirect_dma semaphore(%arg28 : memref<!tpu.dma_semaphore, #tpu.memory_space<semaphore_mem>>) src(%dma_wait3A_139 : memref<10240x128xf32, #tpu.memory_space<hbm>>) dst(%arg19 : memref<80x128xf32, #tpu.memory_space<vmem>>)
      %dma_start3A_140 = arith.constant 0 : i32
      %dma_start3A_141 = arith.constant 0 : i32
      %dma_start3A_142 = tpu.memref_slice %arg21[%dma_start3A_140, %dma_start3A_141] : memref<10240x128xf32, #tpu.memory_space<vmem_shared>> -> memref<10240x128xf32, #tpu.memory_space<vmem_shared>>
      tpu.enqueue_indirect_dma source(%arg19 : memref<80x128xf32, #tpu.memory_space<vmem>>) target(%dma_start3A_142 : memref<10240x128xf32, #tpu.memory_space<vmem_shared>>) offsets(%arg13 : memref<80xi32, #tpu.memory_space<vmem>>) semaphore(%arg32 : memref<!tpu.dma_semaphore, #tpu.memory_space<semaphore_mem>>) {add = true}
      %dma_wait3A_143 = arith.constant 0 : i32
      %dma_wait3A_144 = arith.constant 0 : i32
      %dma_wait3A_145 = tpu.memref_slice %arg2[%dma_wait3A_143, %dma_wait3A_144] : memref<10240x128xf32, #tpu.memory_space<hbm>> -> memref<10240x128xf32, #tpu.memory_space<hbm>>
      tpu.wait_indirect_dma semaphore(%arg29 : memref<!tpu.dma_semaphore, #tpu.memory_space<semaphore_mem>>) src(%dma_wait3A_145 : memref<10240x128xf32, #tpu.memory_space<hbm>>) dst(%arg20 : memref<80x128xf32, #tpu.memory_space<vmem>>)
      %dma_start3A_146 = arith.constant 0 : i32
      %dma_start3A_147 = arith.constant 0 : i32
      %dma_start3A_148 = tpu.memref_slice %arg21[%dma_start3A_146, %dma_start3A_147] : memref<10240x128xf32, #tpu.memory_space<vmem_shared>> -> memref<10240x128xf32, #tpu.memory_space<vmem_shared>>
      tpu.enqueue_indirect_dma source(%arg20 : memref<80x128xf32, #tpu.memory_space<vmem>>) target(%dma_start3A_148 : memref<10240x128xf32, #tpu.memory_space<vmem_shared>>) offsets(%arg14 : memref<80xi32, #tpu.memory_space<vmem>>) semaphore(%arg33 : memref<!tpu.dma_semaphore, #tpu.memory_space<semaphore_mem>>) {add = true}
    }
    %scan3A_9 = arith.constant 31 : i32
    %dma_wait3A = arith.constant 0 : i32
    %dma_wait3A_10 = arith.constant 0 : i32
    %dma_wait3A_11 = tpu.memref_slice %arg21[%dma_wait3A, %dma_wait3A_10] : memref<10240x128xf32, #tpu.memory_space<vmem_shared>> -> memref<10240x128xf32, #tpu.memory_space<vmem_shared>>
    tpu.wait_indirect_dma semaphore(%arg30 : memref<!tpu.dma_semaphore, #tpu.memory_space<semaphore_mem>>) src(%arg17 : memref<80x128xf32, #tpu.memory_space<vmem>>) dst(%dma_wait3A_11 : memref<10240x128xf32, #tpu.memory_space<vmem_shared>>)
    %dma_wait3A_12 = arith.constant 0 : i32
    %dma_wait3A_13 = arith.constant 0 : i32
    %dma_wait3A_14 = tpu.memref_slice %arg21[%dma_wait3A_12, %dma_wait3A_13] : memref<10240x128xf32, #tpu.memory_space<vmem_shared>> -> memref<10240x128xf32, #tpu.memory_space<vmem_shared>>
    tpu.wait_indirect_dma semaphore(%arg31 : memref<!tpu.dma_semaphore, #tpu.memory_space<semaphore_mem>>) src(%arg18 : memref<80x128xf32, #tpu.memory_space<vmem>>) dst(%dma_wait3A_14 : memref<10240x128xf32, #tpu.memory_space<vmem_shared>>)
    %dma_wait3A_15 = arith.constant 0 : i32
    %dma_wait3A_16 = arith.constant 0 : i32
    %dma_wait3A_17 = tpu.memref_slice %arg21[%dma_wait3A_15, %dma_wait3A_16] : memref<10240x128xf32, #tpu.memory_space<vmem_shared>> -> memref<10240x128xf32, #tpu.memory_space<vmem_shared>>
    tpu.wait_indirect_dma semaphore(%arg32 : memref<!tpu.dma_semaphore, #tpu.memory_space<semaphore_mem>>) src(%arg19 : memref<80x128xf32, #tpu.memory_space<vmem>>) dst(%dma_wait3A_17 : memref<10240x128xf32, #tpu.memory_space<vmem_shared>>)
    %dma_wait3A_18 = arith.constant 0 : i32
    %dma_wait3A_19 = arith.constant 0 : i32
    %dma_wait3A_20 = tpu.memref_slice %arg21[%dma_wait3A_18, %dma_wait3A_19] : memref<10240x128xf32, #tpu.memory_space<vmem_shared>> -> memref<10240x128xf32, #tpu.memory_space<vmem_shared>>
    tpu.wait_indirect_dma semaphore(%arg33 : memref<!tpu.dma_semaphore, #tpu.memory_space<semaphore_mem>>) src(%arg20 : memref<80x128xf32, #tpu.memory_space<vmem>>) dst(%dma_wait3A_20 : memref<10240x128xf32, #tpu.memory_space<vmem_shared>>)
    %add3A_21 = arith.constant 9920 : i32
    %add3A_22 = arith.addi %mul3A_4, %add3A_21 : i32
    %multiple_of3A = tpu.assume_multiple %add3A_22, 8 : i32
    %dma_start3A = tpu.memref_slice %arg3[%multiple_of3A] : memref<320000xi32, #tpu.memory_space<hbm>> -> memref<80xi32, #tpu.memory_space<hbm>>
    %dma_start3A_23 = tpu.memref_slice %arg3[%multiple_of3A] : memref<320000xi32, #tpu.memory_space<hbm>> -> memref<80xi32, #tpu.memory_space<hbm>>
    tpu.enqueue_dma source(%dma_start3A_23 : memref<80xi32, #tpu.memory_space<hbm>>) target(%arg7 : memref<80xi32, #tpu.memory_space<vmem>>) target_semaphore(%arg22 : memref<!tpu.dma_semaphore, #tpu.memory_space<semaphore_mem>>)
    %dma_wait3A_24 = tpu.memref_slice %arg3[%multiple_of3A] : memref<320000xi32, #tpu.memory_space<hbm>> -> memref<80xi32, #tpu.memory_space<hbm>>
    %dma_wait3A_25 = tpu.memref_slice %arg3[%multiple_of3A] : memref<320000xi32, #tpu.memory_space<hbm>> -> memref<80xi32, #tpu.memory_space<hbm>>
    tpu.wait_dma2 semaphore(%arg22 : memref<!tpu.dma_semaphore, #tpu.memory_space<semaphore_mem>>) src(%dma_wait3A_25 : memref<80xi32, #tpu.memory_space<hbm>>) dst(%arg7 : memref<80xi32, #tpu.memory_space<vmem>>)
    %dma_start3A_26 = tpu.memref_slice %arg4[%multiple_of3A] : memref<320000xi32, #tpu.memory_space<hbm>> -> memref<80xi32, #tpu.memory_space<hbm>>
    %dma_start3A_27 = tpu.memref_slice %arg4[%multiple_of3A] : memref<320000xi32, #tpu.memory_space<hbm>> -> memref<80xi32, #tpu.memory_space<hbm>>
    tpu.enqueue_dma source(%dma_start3A_27 : memref<80xi32, #tpu.memory_space<hbm>>) target(%arg11 : memref<80xi32, #tpu.memory_space<vmem>>) target_semaphore(%arg22 : memref<!tpu.dma_semaphore, #tpu.memory_space<semaphore_mem>>)
    %dma_wait3A_28 = tpu.memref_slice %arg4[%multiple_of3A] : memref<320000xi32, #tpu.memory_space<hbm>> -> memref<80xi32, #tpu.memory_space<hbm>>
    %dma_wait3A_29 = tpu.memref_slice %arg4[%multiple_of3A] : memref<320000xi32, #tpu.memory_space<hbm>> -> memref<80xi32, #tpu.memory_space<hbm>>
    tpu.wait_dma2 semaphore(%arg22 : memref<!tpu.dma_semaphore, #tpu.memory_space<semaphore_mem>>) src(%dma_wait3A_29 : memref<80xi32, #tpu.memory_space<hbm>>) dst(%arg11 : memref<80xi32, #tpu.memory_space<vmem>>)
    %dma_start3A_30 = arith.constant 0 : i32
    %dma_start3A_31 = arith.constant 0 : i32
    %dma_start3A_32 = tpu.memref_slice %arg2[%dma_start3A_30, %dma_start3A_31] : memref<10240x128xf32, #tpu.memory_space<hbm>> -> memref<10240x128xf32, #tpu.memory_space<hbm>>
    tpu.enqueue_indirect_dma source(%dma_start3A_32 : memref<10240x128xf32, #tpu.memory_space<hbm>>) target(%arg17 : memref<80x128xf32, #tpu.memory_space<vmem>>) offsets(%arg7 : memref<80xi32, #tpu.memory_space<vmem>>) semaphore(%arg26 : memref<!tpu.dma_semaphore, #tpu.memory_space<semaphore_mem>>)
    %dma_wait3A_33 = arith.constant 0 : i32
    %dma_wait3A_34 = arith.constant 0 : i32
    %dma_wait3A_35 = tpu.memref_slice %arg2[%dma_wait3A_33, %dma_wait3A_34] : memref<10240x128xf32, #tpu.memory_space<hbm>> -> memref<10240x128xf32, #tpu.memory_space<hbm>>
    tpu.wait_indirect_dma semaphore(%arg26 : memref<!tpu.dma_semaphore, #tpu.memory_space<semaphore_mem>>) src(%dma_wait3A_35 : memref<10240x128xf32, #tpu.memory_space<hbm>>) dst(%arg17 : memref<80x128xf32, #tpu.memory_space<vmem>>)
    "tpu.region"() ({
      %run_scoped3A = tpu.sem_alloc : memref<!tpu.dma_semaphore, #tpu.memory_space<semaphore_mem>>
      %dma_start3A_37 = arith.constant 0 : i32
      %dma_start3A_38 = arith.constant 0 : i32
      %dma_start3A_39 = tpu.memref_slice %arg21[%dma_start3A_37, %dma_start3A_38] : memref<10240x128xf32, #tpu.memory_space<vmem_shared>> -> memref<10240x128xf32, #tpu.memory_space<vmem_shared>>
      tpu.enqueue_indirect_dma source(%arg17 : memref<80x128xf32, #tpu.memory_space<vmem>>) target(%dma_start3A_39 : memref<10240x128xf32, #tpu.memory_space<vmem_shared>>) offsets(%arg11 : memref<80xi32, #tpu.memory_space<vmem>>) semaphore(%run_scoped3A : memref<!tpu.dma_semaphore, #tpu.memory_space<semaphore_mem>>) {add = true}
      %dma_wait3A_40 = arith.constant 0 : i32
      %dma_wait3A_41 = arith.constant 0 : i32
      %dma_wait3A_42 = tpu.memref_slice %arg21[%dma_wait3A_40, %dma_wait3A_41] : memref<10240x128xf32, #tpu.memory_space<vmem_shared>> -> memref<10240x128xf32, #tpu.memory_space<vmem_shared>>
      tpu.wait_indirect_dma semaphore(%run_scoped3A : memref<!tpu.dma_semaphore, #tpu.memory_space<semaphore_mem>>) src(%arg17 : memref<80x128xf32, #tpu.memory_space<vmem>>) dst(%dma_wait3A_42 : memref<10240x128xf32, #tpu.memory_space<vmem_shared>>)
      tpu.yield
    }) : () -> ()
    %barrier3A_36 = arith.constant 0 : index
    tpu.barrier barrier_id(%barrier3A_36)
    "tpu.region"() ({
      %run_scoped3A = tpu.sem_alloc : memref<!tpu.dma_semaphore, #tpu.memory_space<semaphore_mem>>
      %dma_start3A_37 = arith.constant 0 : i32
      %dma_start3A_38 = tpu.memref_slice %arg6[%arg0, %mul3A_2, %dma_start3A_37] : memref<2x10240x128xf32, #tpu.memory_space<hbm>> -> memref<1x640x128xf32, #tpu.memory_space<hbm>>
      %dma_start3A_39 = tpu.memref_squeeze %dma_start3A_38 : memref<1x640x128xf32, #tpu.memory_space<hbm>> -> memref<640x128xf32, #tpu.memory_space<hbm>>
      %dma_start3A_40 = arith.constant 0 : i32
      %dma_start3A_41 = tpu.memref_slice %arg21[%mul3A_2, %dma_start3A_40] : memref<10240x128xf32, #tpu.memory_space<vmem_shared>> -> memref<640x128xf32, #tpu.memory_space<vmem_shared>>
      tpu.enqueue_dma source(%dma_start3A_41 : memref<640x128xf32, #tpu.memory_space<vmem_shared>>) target(%dma_start3A_39 : memref<640x128xf32, #tpu.memory_space<hbm>>) target_semaphore(%run_scoped3A : memref<!tpu.dma_semaphore, #tpu.memory_space<semaphore_mem>>)
      %dma_wait3A_42 = arith.constant 0 : i32
      %dma_wait3A_43 = tpu.memref_slice %arg6[%arg0, %mul3A_2, %dma_wait3A_42] : memref<2x10240x128xf32, #tpu.memory_space<hbm>> -> memref<1x640x128xf32, #tpu.memory_space<hbm>>
      %dma_wait3A_44 = tpu.memref_squeeze %dma_wait3A_43 : memref<1x640x128xf32, #tpu.memory_space<hbm>> -> memref<640x128xf32, #tpu.memory_space<hbm>>
      %dma_wait3A_45 = arith.constant 0 : i32
      %dma_wait3A_46 = tpu.memref_slice %arg21[%mul3A_2, %dma_wait3A_45] : memref<10240x128xf32, #tpu.memory_space<vmem_shared>> -> memref<640x128xf32, #tpu.memory_space<vmem_shared>>
      tpu.wait_dma2 semaphore(%run_scoped3A : memref<!tpu.dma_semaphore, #tpu.memory_space<semaphore_mem>>) src(%dma_wait3A_46 : memref<640x128xf32, #tpu.memory_space<vmem_shared>>) dst(%dma_wait3A_44 : memref<640x128xf32, #tpu.memory_space<hbm>>)
      tpu.yield
    }) : () -> ()
    return
  }
}

module attributes {stable_mosaic.version = 14 : i64} {
  func.func @_mm_body(%arg0: i32, %arg1: memref<2000x128xf32, #tpu.memory_space<vmem>>, %arg2: memref<128x128xf32, #tpu.memory_space<vmem>>, %arg3: memref<2000x128xf32, #tpu.memory_space<vmem>>) attributes {dimension_semantics = [#tpu.dimension_semantics<arbitrary>], iteration_bounds = array<i64: 5>, scalar_prefetch = 0 : i64, scratch_operands = 0 : i64, tpu.core_type = #tpu.core_type<tc>, window_params = [{transform_indices = @transform_0, window_bounds = array<i64: 2000, 128>}, {pipeline_mode = #tpu.pipeline_mode<synchronous>, transform_indices = @transform_1, window_bounds = array<i64: 128, 128>}, {transform_indices = @transform_2, window_bounds = array<i64: 2000, 128>}]} {
    %get3A = arith.constant 0 : index
    %get3A_0 = arith.constant 0 : index
    %get3A_1 = vector.load %arg1[%get3A, %get3A_0] : memref<2000x128xf32, #tpu.memory_space<vmem>>, vector<2000x128xf32>
    %get3A_2 = arith.constant 0 : index
    %get3A_3 = arith.constant 0 : index
    %get3A_4 = vector.load %arg2[%get3A_2, %get3A_3] : memref<128x128xf32, #tpu.memory_space<vmem>>, vector<128x128xf32>
    %dot_general3A = arith.constant dense<0.000000e+00> : vector<2000x128xf32>
    %dot_general3A_5 = tpu.matmul %get3A_1, %get3A_4, %dot_general3A {dimension_numbers = #tpu.dot_dimension_numbers<[1], [0], [0], [1], [0, 0, 1, 1], [], []>, transpose_lhs_hint = false} : vector<2000x128xf32>, vector<128x128xf32>, vector<2000x128xf32> -> vector<2000x128xf32>
    %swap3A = arith.constant 0 : index
    %swap3A_6 = arith.constant 0 : index
    %swap3A_7 = vector.load %arg3[%swap3A, %swap3A_6] : memref<2000x128xf32, #tpu.memory_space<vmem>>, vector<2000x128xf32>
    tpu.vector_store %arg3[%swap3A, %swap3A_6], %dot_general3A_5 {strides = array<i32>} : memref<2000x128xf32, #tpu.memory_space<vmem>>, vector<2000x128xf32>,
    return
  }
  func.func @transform_0(%arg0: i32) -> (i32, i32) {
    %c0_i32 = arith.constant 0 : i32
    %c0_i32_0 = arith.constant 0 : i32
    return %arg0, %c0_i32 : i32, i32
  }
  func.func @transform_1(%arg0: i32) -> (i32, i32) {
    %c0_i32 = arith.constant 0 : i32
    %c0_i32_0 = arith.constant 0 : i32
    %c0_i32_1 = arith.constant 0 : i32
    return %c0_i32, %c0_i32_0 : i32, i32
  }
  func.func @transform_2(%arg0: i32) -> (i32, i32) {
    %c0_i32 = arith.constant 0 : i32
    %c0_i32_0 = arith.constant 0 : i32
    return %arg0, %c0_i32 : i32, i32
  }
}

module attributes {stable_mosaic.version = 14 : i64} {
  func.func @_split_body(%arg0: memref<2x320000xi32, #tpu.memory_space<vmem>>, %arg1: memref<320000xi32, #tpu.memory_space<vmem>>, %arg2: memref<320000xi32, #tpu.memory_space<vmem>>) attributes {dimension_semantics = [], scalar_prefetch = 0 : i64, scratch_operands = 0 : i64, tpu.core_type = #tpu.core_type<tc>} {
    %get3A = arith.constant 0 : index
    %get3A_0 = arith.constant 0 : index
    %get3A_1 = vector.load %arg0[%get3A, %get3A_0] : memref<2x320000xi32, #tpu.memory_space<vmem>>, vector<1x320000xi32>
    %get3A_2 = vector.shape_cast %get3A_1 : vector<1x320000xi32> to vector<320000xi32>
    %swap3A = arith.constant 0 : index
    %swap3A_3 = vector.load %arg1[%swap3A] : memref<320000xi32, #tpu.memory_space<vmem>>, vector<320000xi32>
    tpu.vector_store %arg1[%swap3A], %get3A_2 {strides = array<i32>} : memref<320000xi32, #tpu.memory_space<vmem>>, vector<320000xi32>,
    %get3A_4 = arith.constant 1 : index
    %get3A_5 = arith.constant 0 : index
    %get3A_6 = vector.load %arg0[%get3A_4, %get3A_5] : memref<2x320000xi32, #tpu.memory_space<vmem>>, vector<1x320000xi32>
    %get3A_7 = vector.shape_cast %get3A_6 : vector<1x320000xi32> to vector<320000xi32>
    %swap3A_8 = arith.constant 0 : index
    %swap3A_9 = vector.load %arg2[%swap3A_8] : memref<320000xi32, #tpu.memory_space<vmem>>, vector<320000xi32>
    tpu.vector_store %arg2[%swap3A_8], %get3A_7 {strides = array<i32>} : memref<320000xi32, #tpu.memory_space<vmem>>, vector<320000xi32>,
    return
  }
}

module attributes {stable_mosaic.version = 14 : i64} {
  func.func @_lin_body(%arg0: i32, %arg1: memref<2000x128xf32, #tpu.memory_space<vmem>>, %arg2: memref<2x2000x1xf32, #tpu.memory_space<vmem>>, %arg3: memref<2000x128xf32, #tpu.memory_space<vmem>>, %arg4: memref<2000x1xf32, #tpu.memory_space<vmem>>) attributes {dimension_semantics = [#tpu.dimension_semantics<arbitrary>], iteration_bounds = array<i64: 5>, scalar_prefetch = 0 : i64, scratch_operands = 0 : i64, tpu.core_type = #tpu.core_type<tc>, window_params = [{transform_indices = @transform_0, window_bounds = array<i64: 2000, 128>}, {transform_indices = @transform_1, window_bounds = array<i64: 2, 2000, 1>}, {transform_indices = @transform_2, window_bounds = array<i64: 2000, 128>}, {transform_indices = @transform_3, window_bounds = array<i64: 2000, 1>}]} {
    %get3A = arith.constant 0 : index
    %get3A_0 = arith.constant 0 : index
    %get3A_1 = arith.constant 0 : index
    %get3A_2 = vector.load %arg2[%get3A, %get3A_0, %get3A_1] : memref<2x2000x1xf32, #tpu.memory_space<vmem>>, vector<2x2000x1xf32>
    %reduce_sum3A = arith.constant dense<0.000000e+00> : vector<2000x1xf32>
    %reduce_sum3A_3 = vector.multi_reduction <add>, %get3A_2, %reduce_sum3A [0] : vector<2x2000x1xf32> to vector<2000x1xf32>
    %add3A = arith.constant 1.000000e+00 : f32
    %add3A_4 = vector.broadcast %add3A : f32 to vector<2000x1xf32>
    %add3A_5 = arith.addf %reduce_sum3A_3, %add3A_4 : vector<2000x1xf32>
    %rsqrt3A = math.rsqrt %add3A_5 : vector<2000x1xf32>
    %get3A_6 = arith.constant 0 : index
    %get3A_7 = arith.constant 0 : index
    %get3A_8 = vector.load %arg1[%get3A_6, %get3A_7] : memref<2000x128xf32, #tpu.memory_space<vmem>>, vector<2000x128xf32>
    %mul3A = vector.broadcast %rsqrt3A : vector<2000x1xf32> to vector<2000x128xf32>
    %mul3A_9 = arith.mulf %get3A_8, %mul3A : vector<2000x128xf32>
    %swap3A = arith.constant 0 : index
    %swap3A_10 = arith.constant 0 : index
    %swap3A_11 = vector.load %arg3[%swap3A, %swap3A_10] : memref<2000x128xf32, #tpu.memory_space<vmem>>, vector<2000x128xf32>
    tpu.vector_store %arg3[%swap3A, %swap3A_10], %mul3A_9 {strides = array<i32>} : memref<2000x128xf32, #tpu.memory_space<vmem>>, vector<2000x128xf32>,
    %swap3A_12 = arith.constant 0 : index
    %swap3A_13 = arith.constant 0 : index
    %swap3A_14 = vector.load %arg4[%swap3A_12, %swap3A_13] : memref<2000x1xf32, #tpu.memory_space<vmem>>, vector<2000x1xf32>
    tpu.vector_store %arg4[%swap3A_12, %swap3A_13], %rsqrt3A {strides = array<i32>} : memref<2000x1xf32, #tpu.memory_space<vmem>>, vector<2000x1xf32>,
    return
  }
  func.func @transform_0(%arg0: i32) -> (i32, i32) {
    %c0_i32 = arith.constant 0 : i32
    %c0_i32_0 = arith.constant 0 : i32
    return %arg0, %c0_i32 : i32, i32
  }
  func.func @transform_1(%arg0: i32) -> (i32, i32, i32) {
    %c0_i32 = arith.constant 0 : i32
    %c0_i32_0 = arith.constant 0 : i32
    %c0_i32_1 = arith.constant 0 : i32
    return %c0_i32, %arg0, %c0_i32_0 : i32, i32, i32
  }
  func.func @transform_2(%arg0: i32) -> (i32, i32) {
    %c0_i32 = arith.constant 0 : i32
    %c0_i32_0 = arith.constant 0 : i32
    return %arg0, %c0_i32 : i32, i32
  }
  func.func @transform_3(%arg0: i32) -> (i32, i32) {
    %c0_i32 = arith.constant 0 : i32
    %c0_i32_0 = arith.constant 0 : i32
    return %arg0, %c0_i32 : i32, i32
  }
}

module attributes {stable_mosaic.version = 14 : i64} {
  func.func @_fin_body(%arg0: i32, %arg1: memref<2x2000x128xf32, #tpu.memory_space<vmem>>, %arg2: memref<2000x128xf32, #tpu.memory_space<vmem>>, %arg3: memref<2000x1xf32, #tpu.memory_space<vmem>>, %arg4: memref<128xf32, #tpu.memory_space<vmem>>, %arg5: memref<128xf32, #tpu.memory_space<vmem>>, %arg6: memref<128xf32, #tpu.memory_space<vmem>>, %arg7: memref<2000x128xf32, #tpu.memory_space<vmem>>) attributes {dimension_semantics = [#tpu.dimension_semantics<arbitrary>], iteration_bounds = array<i64: 5>, scalar_prefetch = 0 : i64, scratch_operands = 0 : i64, tpu.core_type = #tpu.core_type<tc>, window_params = [{transform_indices = @transform_0, window_bounds = array<i64: 2, 2000, 128>}, {transform_indices = @transform_1, window_bounds = array<i64: 2000, 128>}, {transform_indices = @transform_2, window_bounds = array<i64: 2000, 1>}, {pipeline_mode = #tpu.pipeline_mode<synchronous>, transform_indices = @transform_3, window_bounds = array<i64: 128>}, {pipeline_mode = #tpu.pipeline_mode<synchronous>, transform_indices = @transform_4, window_bounds = array<i64: 128>}, {pipeline_mode = #tpu.pipeline_mode<synchronous>, transform_indices = @transform_5, window_bounds = array<i64: 128>}, {transform_indices = @transform_6, window_bounds = array<i64: 2000, 128>}]} {
    %get3A = arith.constant 0 : index
    %get3A_0 = arith.constant 0 : index
    %get3A_1 = vector.load %arg3[%get3A, %get3A_0] : memref<2000x1xf32, #tpu.memory_space<vmem>>, vector<2000x1xf32>
    %get3A_2 = arith.constant 0 : index
    %get3A_3 = arith.constant 0 : index
    %get3A_4 = arith.constant 0 : index
    %get3A_5 = vector.load %arg1[%get3A_2, %get3A_3, %get3A_4] : memref<2x2000x128xf32, #tpu.memory_space<vmem>>, vector<1x2000x128xf32>
    %get3A_6 = vector.shape_cast %get3A_5 : vector<1x2000x128xf32> to vector<2000x128xf32>
    %get3A_7 = arith.constant 1 : index
    %get3A_8 = arith.constant 0 : index
    %get3A_9 = arith.constant 0 : index
    %get3A_10 = vector.load %arg1[%get3A_7, %get3A_8, %get3A_9] : memref<2x2000x128xf32, #tpu.memory_space<vmem>>, vector<1x2000x128xf32>
    %get3A_11 = vector.shape_cast %get3A_10 : vector<1x2000x128xf32> to vector<2000x128xf32>
    %add3A = arith.addf %get3A_6, %get3A_11 : vector<2000x128xf32>
    %get3A_12 = arith.constant 0 : index
    %get3A_13 = arith.constant 0 : index
    %get3A_14 = vector.load %arg2[%get3A_12, %get3A_13] : memref<2000x128xf32, #tpu.memory_space<vmem>>, vector<2000x128xf32>
    %add3A_15 = arith.addf %add3A, %get3A_14 : vector<2000x128xf32>
    %mul3A = vector.broadcast %get3A_1 : vector<2000x1xf32> to vector<2000x128xf32>
    %mul3A_16 = arith.mulf %mul3A, %add3A_15 : vector<2000x128xf32>
    %get3A_17 = arith.constant 0 : index
    %get3A_18 = vector.load %arg4[%get3A_17] : memref<128xf32, #tpu.memory_space<vmem>>, vector<128xf32>
    %broadcast_in_dim3A = vector.shape_cast %get3A_18 : vector<128xf32> to vector<1x128xf32>
    %add3A_19 = vector.broadcast %broadcast_in_dim3A : vector<1x128xf32> to vector<2000x128xf32>
    %add3A_20 = arith.addf %mul3A_16, %add3A_19 : vector<2000x128xf32>
    %reduce_sum3A = arith.constant dense<0.000000e+00> : vector<2000xf32>
    %reduce_sum3A_21 = vector.multi_reduction <add>, %add3A_20, %reduce_sum3A [1] : vector<2000x128xf32> to vector<2000xf32>
    %broadcast_in_dim3A_22 = vector.shape_cast %reduce_sum3A_21 : vector<2000xf32> to vector<2000x1xf32>
    %div3A = arith.constant 1.280000e+02 : f32
    %div3A_23 = vector.broadcast %div3A : f32 to vector<2000x1xf32>
    %div3A_24 = arith.divf %broadcast_in_dim3A_22, %div3A_23 : vector<2000x1xf32>
    %sub3A = vector.broadcast %div3A_24 : vector<2000x1xf32> to vector<2000x128xf32>
    %sub3A_25 = arith.subf %add3A_20, %sub3A : vector<2000x128xf32>
    %sub3A_26 = vector.broadcast %div3A_24 : vector<2000x1xf32> to vector<2000x128xf32>
    %sub3A_27 = arith.subf %add3A_20, %sub3A_26 : vector<2000x128xf32>
    %mul3A_28 = arith.mulf %sub3A_25, %sub3A_27 : vector<2000x128xf32>
    %reduce_sum3A_29 = arith.constant dense<0.000000e+00> : vector<2000xf32>
    %reduce_sum3A_30 = vector.multi_reduction <add>, %mul3A_28, %reduce_sum3A_29 [1] : vector<2000x128xf32> to vector<2000xf32>
    %broadcast_in_dim3A_31 = vector.shape_cast %reduce_sum3A_30 : vector<2000xf32> to vector<2000x1xf32>
    %div3A_32 = arith.constant 1.280000e+02 : f32
    %div3A_33 = vector.broadcast %div3A_32 : f32 to vector<2000x1xf32>
    %div3A_34 = arith.divf %broadcast_in_dim3A_31, %div3A_33 : vector<2000x1xf32>
    %sub3A_35 = vector.broadcast %div3A_24 : vector<2000x1xf32> to vector<2000x128xf32>
    %sub3A_36 = arith.subf %add3A_20, %sub3A_35 : vector<2000x128xf32>
    %add3A_37 = arith.constant 9.99999974E-6 : f32
    %add3A_38 = vector.broadcast %add3A_37 : f32 to vector<2000x1xf32>
    %add3A_39 = arith.addf %div3A_34, %add3A_38 : vector<2000x1xf32>
    %rsqrt3A = math.rsqrt %add3A_39 : vector<2000x1xf32>
    %mul3A_40 = vector.broadcast %rsqrt3A : vector<2000x1xf32> to vector<2000x128xf32>
    %mul3A_41 = arith.mulf %sub3A_36, %mul3A_40 : vector<2000x128xf32>
    %get3A_42 = arith.constant 0 : index
    %get3A_43 = vector.load %arg5[%get3A_42] : memref<128xf32, #tpu.memory_space<vmem>>, vector<128xf32>
    %broadcast_in_dim3A_44 = vector.shape_cast %get3A_43 : vector<128xf32> to vector<1x128xf32>
    %mul3A_45 = vector.broadcast %broadcast_in_dim3A_44 : vector<1x128xf32> to vector<2000x128xf32>
    %mul3A_46 = arith.mulf %mul3A_41, %mul3A_45 : vector<2000x128xf32>
    %get3A_47 = arith.constant 0 : index
    %get3A_48 = vector.load %arg6[%get3A_47] : memref<128xf32, #tpu.memory_space<vmem>>, vector<128xf32>
    %broadcast_in_dim3A_49 = vector.shape_cast %get3A_48 : vector<128xf32> to vector<1x128xf32>
    %add3A_50 = vector.broadcast %broadcast_in_dim3A_49 : vector<1x128xf32> to vector<2000x128xf32>
    %add3A_51 = arith.addf %mul3A_46, %add3A_50 : vector<2000x128xf32>
    %max3A = arith.constant 0.000000e+00 : f32
    %max3A_52 = vector.broadcast %max3A : f32 to vector<2000x128xf32>
    %max3A_53 = arith.maximumf %add3A_51, %max3A_52 : vector<2000x128xf32>
    %swap3A = arith.constant 0 : index
    %swap3A_54 = arith.constant 0 : index
    %swap3A_55 = vector.load %arg7[%swap3A, %swap3A_54] : memref<2000x128xf32, #tpu.memory_space<vmem>>, vector<2000x128xf32>
    tpu.vector_store %arg7[%swap3A, %swap3A_54], %max3A_53 {strides = array<i32>} : memref<2000x128xf32, #tpu.memory_space<vmem>>, vector<2000x128xf32>,
    return
  }
  func.func @transform_0(%arg0: i32) -> (i32, i32, i32) {
    %c0_i32 = arith.constant 0 : i32
    %c0_i32_0 = arith.constant 0 : i32
    %c0_i32_1 = arith.constant 0 : i32
    return %c0_i32, %arg0, %c0_i32_0 : i32, i32, i32
  }
  func.func @transform_1(%arg0: i32) -> (i32, i32) {
    %c0_i32 = arith.constant 0 : i32
    %c0_i32_0 = arith.constant 0 : i32
    return %arg0, %c0_i32 : i32, i32
  }
  func.func @transform_2(%arg0: i32) -> (i32, i32) {
    %c0_i32 = arith.constant 0 : i32
    %c0_i32_0 = arith.constant 0 : i32
    return %arg0, %c0_i32 : i32, i32
  }
  func.func @transform_3(%arg0: i32) -> i32 {
    %c0_i32 = arith.constant 0 : i32
    %c0_i32_0 = arith.constant 0 : i32
    return %c0_i32 : i32
  }
  func.func @transform_4(%arg0: i32) -> i32 {
    %c0_i32 = arith.constant 0 : i32
    %c0_i32_0 = arith.constant 0 : i32
    return %c0_i32 : i32
  }
  func.func @transform_5(%arg0: i32) -> i32 {
    %c0_i32 = arith.constant 0 : i32
    %c0_i32_0 = arith.constant 0 : i32
    return %c0_i32 : i32
  }
  func.func @transform_6(%arg0: i32) -> (i32, i32) {
    %c0_i32 = arith.constant 0 : i32
    %c0_i32_0 = arith.constant 0 : i32
    return %arg0, %c0_i32 : i32, i32
  }
}

</mosaic_0001>

<sc_bundles>
// kernel: kernel.11.cloned.1.call-start
scs
__scs_entry_jumppad:
0x0: {  	(pc) =	sbr.rel $0x88, $3  }
0x1: {  	(tag) =	ssettag $0x0;
	lr =	simm.s32 $0x1  }
0x2: {  	[smem:$0x3F9B] =	sst lr;
	_ =	strace $0xD0000000  }
0x3: {  	_ = 	snop  }
0x4: {  	_ = 	snop  }
0x5: {  	_ = 	snop  }
0x6: {  	_ = 	snop  }
0x7: {  	_ = 	snop  }
__scs_overlays_trampoline_lowered:
0x8: {  	[smem:$0x3FAA] =	sst s0  }
0x9: {  	[smem:$0x3FAB] =	sst s1  }
0xa: {  	[smem:$0x3FAC] =	sst s2  }
0xb: {  	[smem:$0x3FAD] =	sst s3  }
0xc: {  	[smem:$0x3FAE] =	sst s4  }
0xd: {  	[smem:$0x3FAF] =	sst s5  }
0xe: {  	[smem:$0x3FB0] =	sst s6  }
0xf: {  	[smem:$0x3FB1] =	sst s7  }
0x10: {  	[smem:$0x3FB2] =	sst s8  }
0x11: {  	[smem:$0x3FB3] =	sst s9;
	s0 =	simm.s32 @!p0 $0x0  }
0x12: {  	s1 =	sld [smem:$0x3F99];
	s0 =	simm.s32 @p0 $0x1  }
0x13: {  	[smem:$0x3FB4] =	sst s0;
	s0 =	simm.s32 @!p1 $0x0  }
0x14: {  	s2 =	sld [smem:$0x3F98];
	s0 =	simm.s32 @p1 $0x1  }
0x15: {  	[smem:$0x3FB5] =	sst s0;
	s0 =	simm.s32 @!p2 $0x0  }
0x16: {  	s3 =	sld [smem:$0x3FDB];
	s0 =	simm.s32 @p2 $0x1  }
0x17: {  	s4 =	simm.s32 $0x1BF5;
	[smem:$0x3FB7] =	sst s0  }
0x18: {  	s0 =	sld [smem:$0x3F9A];
	_ =	swait.ge [sflag:s4], $0x0  }
0x19: {  	s7 =	sld [smem:$0x3F9B]  }
0x1a: {  	s8 =	sadd.s32 $0xFFFFE003, lr  }
0x1b: {  	s9 =	sadd.s32 $0xFFFFFEF7, lr;
	s5 =	simm.s32 $0xFFFFFFFF;
	p2 =	slt.u32 s8, $0xFFFFF086  }
0x1c: {  	p1 =	slt.u32 s9, $0xF7A;
	s5 =	simm.s32 @!p2 $0x0  }
0x1d: {  	s5 =	simm.s32 @p1 $0x1;
	p0 =	seq.s32 s7, s2  }
0x1e: {  	s7 =	smul.u32 @!p0 $0xF7A, s2;
	p2 =	seq.s32 @!p0 s5, $0x0  }
0x1f: {  	s9 =	smul.u32 $0xF7A, s1;
	s8 =	simm.s32 @!p0 $0x1BF5;
	p2 =	por !p2, p0  }
0x20: {  	[sflag:s8] =	ssyncset.s32 @!p0 $0xFFFFF086;
	s6 =	sadd.s32 @!p0 s3, s7;
	s7 =	simm.s32 @!p0 $0x108  }
0x21: {  	s3 =	sadd.s32 s3, s9;
	s6 =	sadd.s32 @!p0 $0x88, s6;
	s7 =	simm.s32 @p2 $0x1082  }
0x22: {  	[simem:s7], [sflag:s8] =	dma.local @!p0 [hbm:s6], $0xF7A  }
0x23: {  	s9 =	sor.u32 $0xD0000000, s2;
	s6 =	simm.s32 $0x108;
	_ =	swait.ge @!p0 [sflag:s8], $0x0  }
0x24: {  	s3 =	sadd.s32 $0x88, s3;
	s6 =	simm.s32 @!p1 $0x1082;
	[sflag:s4] =	ssyncset.s32 $0xFFFFF086  }
0x25: {  	[simem:s6], [sflag:s4] =	dma.local [hbm:s3], $0xF7A  }
0x26: {  	[smem:$0x3F9B] =	sst s1;
	(tag) =	ssettag s2;
	_ =	strace s9  }
0x27: {  	s1 =	sld [smem:$0x3FAB]  }
0x28: {  	s2 =	sld [smem:$0x3FAC]  }
0x29: {  	s4 =	sld [smem:$0x3FAE]  }
0x2a: {  	p0 =	seq.s32 s5, $0x0;
	s5 =	sld [smem:$0x3FAF]  }
0x2b: {  	s6 =	sld [smem:$0x3FB0]  }
0x2c: {  	s7 =	sld [smem:$0x3FB1]  }
0x2d: {  	s3 =	simm.s32 $0x108;
	s8 =	sld [smem:$0x3FB2]  }
0x2e: {  	s3 =	simm.s32 @!p0 $0x1082;
	s9 =	sld [smem:$0x3FB3]  }
0x2f: {  	lr =	sadd.s32 s0, s3;
	s0 =	sld [smem:$0x3FAA]  }
0x30: {  	s3 =	sld [smem:$0x3FAD]  }
0x31: {  	[smem:$0x3FB6] =	sst s10  }
0x32: {  	s10 =	sld [smem:$0x3FB4];
	_ =	sdelay $0x3  }
0x33: {  	p0 =	seq.s32 s10, $0x1;
	s10 =	sld [smem:$0x3FB6];
	_ =	sdelay $0x3  }
0x34: {  	[smem:$0x3FB6] =	sst s10  }
0x35: {  	s10 =	sld [smem:$0x3FB5];
	_ =	sdelay $0x3  }
0x36: {  	p1 =	seq.s32 s10, $0x1;
	s10 =	sld [smem:$0x3FB6];
	_ =	sdelay $0x3  }
0x37: {  	[smem:$0x3FB6] =	sst s10  }
0x38: {  	s10 =	sld [smem:$0x3FB7]  }
0x39: {  	_ = 	snop;
	(pc) =	sbr.ind lr, $3  }
0x3a: {  	_ = 	snop  }
0x3b: {  	_ = 	snop  }
0x3c: {  	p2 =	seq.s32 s10, $0x1;
	s10 =	sld [smem:$0x3FB6]  }
0x3d: {  	_ =	shalt  }
0x3e: {  	_ =	shalt  }
0x3f: {  	_ =	shalt  }
0x40: {  	_ =	shalt  }
0x41: {  	_ =	shalt  }
0x42: {  	_ =	shalt  }
0x43: {  	_ =	shalt  }
0x44: {  	_ =	shalt  }
0x45: {  	_ =	shalt  }
0x46: {  	_ =	shalt  }
0x47: {  	_ =	shalt  }
0x48: {  	_ =	shalt  }
0x49: {  	_ =	shalt  }
0x4a: {  	_ =	shalt  }
0x4b: {  	_ =	shalt  }
0x4c: {  	_ =	shalt  }
0x4d: {  	_ =	shalt  }
0x4e: {  	_ =	shalt  }
0x4f: {  	_ =	shalt  }
0x50: {  	_ =	shalt  }
0x51: {  	_ =	shalt  }
0x52: {  	_ =	shalt  }
0x53: {  	_ =	shalt  }
0x54: {  	_ =	shalt  }
0x55: {  	_ =	shalt  }
0x56: {  	_ =	shalt  }
0x57: {  	_ =	shalt  }
0x58: {  	_ =	shalt  }
0x59: {  	_ =	shalt  }
0x5a: {  	_ =	shalt  }
0x5b: {  	_ =	shalt  }
0x5c: {  	_ =	shalt  }
0x5d: {  	_ =	shalt  }
0x5e: {  	_ =	shalt  }
0x5f: {  	_ =	shalt  }
0x60: {  	_ =	shalt  }
0x61: {  	_ =	shalt  }
0x62: {  	_ =	shalt  }
0x63: {  	_ =	shalt  }
0x64: {  	_ =	shalt  }
0x65: {  	_ =	shalt  }
0x66: {  	_ =	shalt  }
0x67: {  	_ =	shalt  }
0x68: {  	_ =	shalt  }
0x69: {  	_ =	shalt  }
0x6a: {  	_ =	shalt  }
0x6b: {  	_ =	shalt  }
0x6c: {  	_ =	shalt  }
0x6d: {  	_ =	shalt  }
0x6e: {  	_ =	shalt  }
0x6f: {  	_ =	shalt  }
0x70: {  	_ =	shalt  }
0x71: {  	_ =	shalt  }
0x72: {  	_ =	shalt  }
0x73: {  	_ =	shalt  }
0x74: {  	_ =	shalt  }
0x75: {  	_ =	shalt  }
0x76: {  	_ =	shalt  }
0x77: {  	_ =	shalt  }
0x78: {  	_ =	shalt  }
0x79: {  	_ =	shalt  }
0x7a: {  	_ =	shalt  }
0x7b: {  	_ =	shalt  }
0x7c: {  	_ =	shalt  }
0x7d: {  	_ =	shalt  }
0x7e: {  	_ =	shalt  }
0x7f: {  	_ =	shalt  }
0x80: {  	_ =	shalt  }
0x81: {  	_ =	shalt  }
0x82: {  	_ =	shalt  }
0x83: {  	_ =	shalt  }
0x84: {  	_ =	shalt  }
0x85: {  	_ =	shalt  }
0x86: {  	_ =	shalt  }
0x87: {  	_ =	shalt  }
.Lfunc_end0:
.L_simem_size_0:
called_computation.1_lowered:
.L_overlay_start_0:
0x88: {  	s2 =	sld [smem:$0x3FD9]  }
0x89: {  	s3 =	sld [smem:$0x3FFE];
	_ =	sdelay $0x1  }
0x8a: {  	s1 =	srdreg.scid  }
0x8b: {  	s0 =	sand.u32 $0x1, s1  }
0x8c: {  	s17 =	sshll.u32 s0, $0xA;
	s2 =	sadd.s32 s3, s2  }
0x8d: {  	s2 =	sadd.s32 s2, s17  }
0x8e: {  	[smem:$0x3FC2] =	sst s2  }
0x8f: {  	_ = 	snop  }
0x90: {  	s2 =	sld [smem:$0x3FD0];
	(tm) =	ssettm $0x1  }
0x91: {  	s18 =	sld [smem:$0x3FFB];
	_ =	sdelay $0x3  }
0x92: {  	_ =	strace s18  }
0x93: {  	s3 =	sld [smem:$0x3FFC];
	_ =	sdelay $0x3  }
0x94: {  	_ =	strace s3  }
0x95: {  	s3 =	sld [smem:$0x3FFD];
	_ =	sdelay $0x3  }
0x96: {  	_ =	strace s3  }
0x97: {  	_ =	strace $0x8FFFFFFF  }
0x98: {  	s19 =	sld [smem:$0x3FDB];
	_ =	sdelay $0x1  }
0x99: {  	s4 =	simm.s32 $_scs_section_size  }
0x9a: {  	s5 =	simm.s32 $_size__tile_overlayer_lowered;
	s6 =	simm.s32 $_tile_overlayer_lowered  }
0x9b: {  	s22 =	simm.s32 $0x1BFF;
	s21 =	sshll.u32 s6, $0x1;
	s3 =	sadd.s32 s4, s19  }
0x9c: {  	s7 =	simm.s32 $0x0;
	s20 =	sshll.u32 s5, $0x1;
	s5 =	sadd.s32 s21, s3  }
0x9d: {  	[timem:s7], [sflag:s22] =	dma.local [hbm:s5], s20  }
0x9e: {  	_ =	swait.ge [sflag:s22], s20  }
0x9f: {  	s4 =	ssub.s32 $0x0, s20;
	[sflag:s22] =	ssyncset.done $0x0  }
0xa0: {  	[sflag:s22] =	ssyncadd.s32 s4;
	_ =	sdelay $0x1  }
0xa1: {  	s23 =	simm.s32 $0x1B8B  }
0xa2: {  	_ =	swait.ge [sflag:s23], $0x1  }
0xa3: {  	[sflag:s23] =	ssyncset.done $0x0  }
0xa4: {  	s25 =	simm.s32 $0x1B8E;
	s24 =	sld [smem:$0x3FFE];
	[sflag:s23] =	ssyncadd.s32 $0xFFFFFFFF  }
0xa5: {  	s26 =	simm.s32 $execute0_lowered;
	[smem:$0x3FD2] =	sst s25  }
0xa6: {  	s5 =	sshll.u32 s26, $0x1;
	_ =	strace $0x80000049;
	[dreg:$0x1] =	wrdreg $0xFFFFFFFF  }
0xa7: {  	s28 =	simm.s32 $_size_execute0_lowered;
	s3 =	sadd.s32 s3, s5;
	[dreg:$0x0] =	wrdreg $0x0  }
0xa8: {  	s5 =	sshll.u32 s28, $0x1;
	[dreg:$0x2] =	wrdreg s3  }
0xa9: {  	[dreg:$0x3] =	wrdreg s5  }
0xaa: {  	[dreg:$0x4] =	wrdreg $0xC0  }
0xab: {  	_ =	task [dreg:s7], $0x5FFFF  }
0xac: {  	[dreg:$0x1] =	wrdreg $0xFFFFFFFF  }
0xad: {  	[dreg:$0x0] =	wrdreg $0x60  }
0xae: {  	[dreg:$0x2] =	wrdreg s24  }
0xaf: {  	[dreg:$0x3] =	wrdreg s2  }
0xb0: {  	[dreg:$0x4] =	wrdreg $0xA4000  }
0xb1: {  	[dreg:$0x5] =	wrdreg $0x9  }
0xb2: {  	_ =	task.clear_ibuf [dreg:s7], $0x6FFFF;
	_ =	strace $0x90000049  }
0xb3: {  	s29 =	simm.s32 $0x9;
	_ =	strace $0x8000004B  }
0xb4: {  	_ =	swait.ge [sflag:s29], $0x1  }
0xb5: {  	[sflag:s29] =	ssyncadd.s32 $0xFFFFFFFF  }
0xb6: {  	_ =	strace $0x9000004B  }
0xb7: {  	_ =	sfence  }
0xb8: {  	s30 =	sld [smem:$0x0];
	_ =	sdelay $0x2  }
0xb9: {  	s31 =	sshll.u32 s1, $0xD;
	s1 =	sshrl.u32 s1, $0x2  }
0xba: {  	s3 =	sand.u32 $0x4000, s31;
	s1 =	sadd.s32 s1, s30  }
0xbb: {  	s0 =	sor.u32 s3, s0;
	s1 =	sshll.u32 s1, $0x11  }
0xbc: {  	s0 =	sor.u32 s1, s0  }
0xbd: {  	s0 =	sadd.s32 $0x8F2B, s0  }
0xbe: {  	[sflag:s0] =	ssyncadd.remote.s32 $0x1  }
0xbf: {  	_ =	sfence.sel $0xFFFF  }
0xc0: {  	[dreg:$0x0] =	wrdreg $0xFFFFFFFF;
	(pc) =	sbr.abs _section_cstart, $3  }
0xc1: {  	[dreg:$0x1] =	wrdreg $0xFFFFFFFF  }
0xc2: {  	_ =	task.clear_ibuf [dreg:s7], $0x2FFFF;
	_ =	strace $0x9FFFFFFF  }
0xc3: {  	(tm) =	ssettm $0x7FFFFFFF  }
tec
execute0_lowered:
.L_overlay_start_1:
0x0: {  	(tag) =	ssettag $0x1  }
0x1: {  	s0 =	rddreg [dreg:$0x0]  }
0x2: {  	s2 =	rddreg [dreg:$0x1]  }
0x3: {  	s1 =	rddreg [dreg:$0x2]  }
0x4: {  	s3 =	srdreg.scid;
	s12 =	stileid.u32  }
0x5: {  	s28 =	simm.s32 $0x4;
	s29 =	simm.s32 $0x7C00;
	s30 =	simm.s32 $0x5  }
0x6: {  	s31 =	simm.s32 $0x6;
	s5 =	sand.u32 $0x1, s3;
	s7 =	smul.u32 $0x14000, s12  }
0x7: {  	s3 =	simm.s32 $0x0;
	s4 =	sadd.s32 $0xC000, s0;
	s26 =	smul.u32 $0x50000, s12  }
0x8: {  	s8 =	sadd.s32 $0x2200, s0;
	s25 =	sadd.s32 $0x34000, s0;
	s10 =	smul.u32 $0x2710, s12  }
0x9: {  	s13 =	sshll.u32 s12, $0x6;
	s6 =	smul.u32 $0x140000, s5;
	[smem:$0x7FF] =	sst s3  }
0xa: {  	s11 =	sshll.u32 s5, $0x4;
	s9 =	smul.u32 $0x27100, s5;
	s5 =	ssub.s32 $0x2, s5  }
0xb: {  	_ =	strace $0x8000004A;
	[dreg:$0xc] =	wrdreg s25;
	s6 =	sadd.s32 s7, s6  }
0xc: {  	s7 =	sshrl.u32 s26, $0x2;
	s9 =	sadd.s32 s10, s9;
	s6 =	sshrl.u32 s6, $0x3  }
0xd: {  	s7 =	sadd.s32 s7, s1;
	s10 =	sadd.s32 $0xF0, s9;
	s16 =	sadd.s32 $0xA0, s9  }
0xe: {  	s19 =	sadd.s32 $0x50, s9;
	s9 =	sshrl.u32 s9, $0x3;
	s0 =	sadd.s32 s6, s0  }
0xf: {  	s6 =	sor.u32 s12, s11;
	s11 =	sshrl.u32 s5, $0x1;
	[dreg:$0xd] =	wrdreg s7  }
0x10: {  	s7 =	sor.u32 $0x1C0D, s13;
	s10 =	sshrl.u32 s10, $0x3;
	s24 =	sadd.s32 s9, s2  }
0x11: {  	s17 =	sshrl.u32 s16, $0x3;
	s26 =	sadd.s32 s9, s8;
	[dreg:$0xa] =	wrdreg s24  }
0x12: {  	s21 =	sshrl.u32 s19, $0x3;
	s12 =	simm.s32 $0xD;
	[dreg:$0xb] =	wrdreg s26  }
0x13: {  	s13 =	simm.s32 $0x200;
	s15 =	sadd.s32 s10, s2;
	[dreg:$0xe] =	wrdreg s7  }
0x14: {  	s16 =	simm.s32 $0x100;
	s10 =	sadd.s32 s10, s8;
	[dreg:$0x4] =	wrdreg s15  }
0x15: {  	s19 =	simm.s32 $0x380;
	s18 =	sadd.s32 s17, s2;
	[dreg:$0x5] =	wrdreg s10  }
0x16: {  	s6 =	smul.u32 $0x2710, s6;
	s20 =	sadd.s32 s17, s8;
	[dreg:$0x6] =	wrdreg s18  }
0x17: {  	s5 =	ssub.s32 s5, s11;
	s22 =	sadd.s32 s21, s2;
	[dreg:$0x7] =	wrdreg s20  }
0x18: {  	s23 =	sadd.s32 s21, s8;
	s0 =	sadd.s32 $0x36800, s0;
	[dreg:$0x8] =	wrdreg s22  }
0x19: {  	s17 =	simm.s32 $0x300;
	s21 =	simm.s32 $0x50;
	[dreg:$0x11] =	wrdreg s0  }
0x1a: {  	s24 =	simm.s32 $0x2C00;
	s26 =	simm.s32 $0x5400;
	[dreg:$0x9] =	wrdreg s23  }
0x1b: {  	s25 =	smax.u32 s5, $0x1;
	s15 =	simm.s32 $0x280;
	s18 =	simm.s32 $0x180  }
0x1c: {  	s20 =	simm.s32 $0x1;
	s22 =	simm.s32 $0x400;
	s6 =	sshrl.u32 s6, $0x3  }
0x1d: {  	s23 =	simm.s32 $0x2;
	s0 =	simm.s32 $0x7;
	s6 =	sadd.s32 $0x4D8, s6  }
0x1e: {  	s10 =	simm.s32 $0x0;
	[dreg:$0x12] =	wrdreg s25;
	s14 =	sadd.s32 s8, s6  }
0x1f: {  	s25 =	simm.s32 $0x3;
	s6 =	sadd.s32 s2, s6;
	[dreg:$0xf] =	wrdreg s14  }
0x20: {  	s2 =	simm.s32 $0x8;
	[dreg:$0x10] =	wrdreg s6;
	s14 =	simm.s32 $0x80  }
.LBB2_1:
0x21: {  	s5 =	rddreg [dreg:$0xd]  }
0x22: {  	s9 =	rddreg [dreg:$0xc];
	s6 =	sshrl.u32 s5, $0x3  }
0x23: {  	[dreg:$0x13] =	wrdreg s6  }
0x24: {  	[spmem:s6], [sflag:s7] =	dma.local [hbm:s9], $0x2800  }
0x25: {  	_ =	swait.ge [sflag:s12], $0x2800  }
0x26: {  	[sflag:s12] =	ssyncset.done $0x0  }
0x27: {  	p0 =	por $0x1, $0x1;
	[sflag:s12] =	ssyncadd.s32 $0xFFFFD800  }
0x28: {  	s5 =	simm.s32 @!p0 $0x9;
	[bflag:$0x0] =	sbarrier.arrive $0xFFFF  }
0x29: {  	_ =	swait.ge @!p0 [sflag:s5], $0x2800  }
0x2a: {  	s11 =	rddreg [dreg:$0xb];
	[sflag:s5] =	ssyncset.done @!p0 $0x0  }
0x2b: {  	s8 =	rddreg [dreg:$0xa];
	[sflag:s5] =	ssyncadd.s32 @!p0 $0xFFFFD800;
	s7 =	sadd.s32 $0x0, s11  }
0x2c: {  	[tilespmem:s3], [sflag:$0x1] =	stream.linear.gather [hbm4b:s7+s3], $0x50, $0x38;
	[tilespmem:$0x1E400] =	vst v63  }
0x2d: {  	s6 =	simm.s32 @!p0 $0xA;
	s9 =	sadd.s32 $0x0, s8  }
0x2e: {  	[tilespmem:s13], [sflag:$0x1] =	stream.linear.gather [hbm4b:s9+s3], $0x50, $0x38;
	[tilespmem:$0x1E400] =	vst v63  }
0x2f: {  	_ =	swait.ge @!p0 [sflag:s6], $0x2800  }
0x30: {  	s11 =	rddreg [dreg:$0x9];
	[sflag:s6] =	ssyncset.done @!p0 $0x0  }
0x31: {  	s7 =	rddreg [dreg:$0x8];
	[sflag:s6] =	ssyncadd.s32 @!p0 $0xFFFFD800;
	s5 =	sadd.s32 $0x0, s11  }
0x32: {  	[tilespmem:s14], [sflag:$0x2] =	stream.linear.gather [hbm4b:s5+s3], $0x50, $0x38;
	[tilespmem:$0x1E400] =	vst v63  }
0x33: {  	s8 =	sadd.s32 $0x0, s7;
	s6 =	simm.s32 @!p0 $0xB  }
0x34: {  	[tilespmem:s15], [sflag:$0x2] =	stream.linear.gather [hbm4b:s8+s3], $0x50, $0x38;
	[tilespmem:$0x1E400] =	vst v63  }
0x35: {  	_ =	swait.ge @!p0 [sflag:s6], $0x2800  }
0x36: {  	s9 =	rddreg [dreg:$0x7];
	[sflag:s6] =	ssyncset.done @!p0 $0x0  }
0x37: {  	s11 =	rddreg [dreg:$0x6];
	[sflag:s6] =	ssyncadd.s32 @!p0 $0xFFFFD800;
	s5 =	sadd.s32 $0x0, s9  }
0x38: {  	[tilespmem:s16], [sflag:$0x3] =	stream.linear.gather [hbm4b:s5+s3], $0x50, $0x38;
	[tilespmem:$0x1E400] =	vst v63  }
0x39: {  	s7 =	sadd.s32 $0x0, s11;
	s6 =	simm.s32 @!p0 $0xC  }
0x3a: {  	[tilespmem:s17], [sflag:$0x3] =	stream.linear.gather [hbm4b:s7+s3], $0x50, $0x38;
	[tilespmem:$0x1E400] =	vst v63  }
0x3b: {  	_ =	swait.ge @!p0 [sflag:s6], $0x2800  }
0x3c: {  	s8 =	rddreg [dreg:$0x5];
	[sflag:s6] =	ssyncset.done @!p0 $0x0  }
0x3d: {  	s9 =	rddreg [dreg:$0x4];
	[sflag:s6] =	ssyncadd.s32 @!p0 $0xFFFFD800;
	s5 =	sadd.s32 $0x0, s8  }
0x3e: {  	[tilespmem:s18], [sflag:$0x4] =	stream.linear.gather [hbm4b:s5+s3], $0x50, $0x38;
	[tilespmem:$0x1E400] =	vst v63  }
0x3f: {  	s11 =	sadd.s32 $0x0, s9  }
0x40: {  	[tilespmem:s19], [sflag:$0x4] =	stream.linear.gather [hbm4b:s11+s3], $0x50, $0x38;
	[tilespmem:$0x1E400] =	vst v63  }
0x41: {  	_ =	swait.ge [sflag:s20], $0x50  }
0x42: {  	[sflag:s20] =	ssyncset.done $0x0  }
0x43: {  	[sflag:s20] =	ssyncadd.s32 $0xFFFFFFB0  }
0x44: {  	_ =	swait.ge [sflag:s20], $0x50  }
0x45: {  	[sflag:s20] =	ssyncset.done $0x0  }
0x46: {  	[sflag:s20] =	ssyncadd.s32 $0xFFFFFFB0  }
0x47: {  	[tilespmem:s22], [sflag:$0x5] =	stream.indirect.gather [hbm4b:s4+s21], $0x80, s3, s21, $0xb8;
	[tilespmem:$0x1E400] =	vst v63  }
0x48: {  	_ =	swait.ge [sflag:s23], $0x50  }
0x49: {  	[sflag:s23] =	ssyncset.done $0x0  }
0x4a: {  	[sflag:s23] =	ssyncadd.s32 $0xFFFFFFB0  }
0x4b: {  	_ =	swait.ge [sflag:s23], $0x50  }
0x4c: {  	[sflag:s23] =	ssyncset.done $0x0  }
0x4d: {  	[sflag:s23] =	ssyncadd.s32 $0xFFFFFFB0  }
0x4e: {  	[tilespmem:s24], [sflag:$0x6] =	stream.indirect.gather [hbm4b:s4+s21], $0x80, s14, s21, $0xb8;
	[tilespmem:$0x1E400] =	vst v63  }
0x4f: {  	_ =	swait.ge [sflag:s25], $0x50  }
0x50: {  	[sflag:s25] =	ssyncset.done $0x0  }
0x51: {  	[sflag:s25] =	ssyncadd.s32 $0xFFFFFFB0  }
0x52: {  	_ =	swait.ge [sflag:s25], $0x50  }
0x53: {  	[sflag:s25] =	ssyncset.done $0x0  }
0x54: {  	[sflag:s25] =	ssyncadd.s32 $0xFFFFFFB0  }
0x55: {  	[tilespmem:s26], [sflag:$0x7] =	stream.indirect.gather [hbm4b:s4+s21], $0x80, s16, s21, $0xb8;
	[tilespmem:$0x1E400] =	vst v63  }
0x56: {  	_ =	swait.ge [sflag:s28], $0x50  }
0x57: {  	[sflag:s28] =	ssyncset.done $0x0  }
0x58: {  	[sflag:s28] =	ssyncadd.s32 $0xFFFFFFB0  }
0x59: {  	_ =	swait.ge [sflag:s28], $0x50  }
0x5a: {  	[sflag:s28] =	ssyncset.done $0x0  }
0x5b: {  	[sflag:s28] =	ssyncadd.s32 $0xFFFFFFB0  }
0x5c: {  	[tilespmem:s29], [sflag:$0x8] =	stream.indirect.gather [hbm4b:s4+s21], $0x80, s18, s21, $0xb8;
	[tilespmem:$0x1E400] =	vst v63  }
0x5d: {  	_ =	swait.ge [sflag:s30], $0x2800  }
0x5e: {  	[sflag:s30] =	ssyncset.done $0x0  }
0x5f: {  	[sflag:s30] =	ssyncadd.s32 $0xFFFFD800  }
0x60: {  	[spmem:s1] =	stream.indirect.scatter.add.f32 [tilespmem:s22], [sflag:$0x9], $0x80, s13, s21, $0xb8;
	[tilespmem:$0x1E400] =	vst v63  }
0x61: {  	_ =	swait.ge [sflag:s31], $0x2800  }
0x62: {  	[sflag:s31] =	ssyncset.done $0x0  }
0x63: {  	[sflag:s31] =	ssyncadd.s32 $0xFFFFD800  }
0x64: {  	[spmem:s1] =	stream.indirect.scatter.add.f32 [tilespmem:s24], [sflag:$0xA], $0x80, s15, s21, $0xb8;
	[tilespmem:$0x1E400] =	vst v63  }
0x65: {  	_ =	swait.ge [sflag:s0], $0x2800  }
0x66: {  	[sflag:s0] =	ssyncset.done $0x0  }
0x67: {  	[sflag:s0] =	ssyncadd.s32 $0xFFFFD800  }
0x68: {  	[spmem:s1] =	stream.indirect.scatter.add.f32 [tilespmem:s26], [sflag:$0xB], $0x80, s17, s21, $0xb8;
	[tilespmem:$0x1E400] =	vst v63  }
0x69: {  	p1 =	por $0x0, $0x0;
	_ =	swait.ge [sflag:s2], $0x2800  }
0x6a: {  	s6 =	simm.s32 $0x50;
	s5 =	simm.s32 $0x28;
	[sflag:s2] =	ssyncset.done $0x0  }
.LBB2_2:
0x6b: {  	s9 =	simm.s32 @!p1 $0x9;
	[sflag:s2] =	ssyncadd.s32 $0xFFFFD800  }
0x6c: {  	[spmem:s1] =	stream.indirect.scatter.add.f32 [tilespmem:s29], [sflag:$0xC], $0x80, s19, s21, $0xb8;
	[tilespmem:$0x1E400] =	vst v63  }
0x6d: {  	_ =	swait.ge @!p1 [sflag:s9], $0x2800  }
0x6e: {  	[sflag:s9] =	ssyncset.done @!p1 $0x0;
	s7 =	rddreg [dreg:$0xb]  }
0x6f: {  	s11 =	rddreg [dreg:$0xa];
	[sflag:s9] =	ssyncadd.s32 @!p1 $0xFFFFD800;
	s7 =	sadd.s32 s5, s7  }
0x70: {  	[tilespmem:s3], [sflag:$0x1] =	stream.linear.gather [hbm4b:s7+s3], $0x50, $0x38;
	[tilespmem:$0x1E400] =	vst v63  }
0x71: {  	s11 =	sadd.s32 s5, s11;
	s9 =	simm.s32 @!p1 $0xA  }
0x72: {  	[tilespmem:s13], [sflag:$0x1] =	stream.linear.gather [hbm4b:s11+s3], $0x50, $0x38;
	[tilespmem:$0x1E400] =	vst v63  }
0x73: {  	_ =	swait.ge @!p1 [sflag:s9], $0x2800  }
0x74: {  	s7 =	rddreg [dreg:$0x9];
	[sflag:s9] =	ssyncset.done @!p1 $0x0  }
0x75: {  	s11 =	rddreg [dreg:$0x8];
	[sflag:s9] =	ssyncadd.s32 @!p1 $0xFFFFD800;
	s7 =	sadd.s32 s5, s7  }
0x76: {  	[tilespmem:s14], [sflag:$0x2] =	stream.linear.gather [hbm4b:s7+s3], $0x50, $0x38;
	[tilespmem:$0x1E400] =	vst v63  }
0x77: {  	s11 =	sadd.s32 s5, s11;
	s9 =	simm.s32 @!p1 $0xB  }
0x78: {  	[tilespmem:s15], [sflag:$0x2] =	stream.linear.gather [hbm4b:s11+s3], $0x50, $0x38;
	[tilespmem:$0x1E400] =	vst v63  }
0x79: {  	_ =	swait.ge @!p1 [sflag:s9], $0x2800  }
0x7a: {  	s7 =	rddreg [dreg:$0x7];
	[sflag:s9] =	ssyncset.done @!p1 $0x0  }
0x7b: {  	s11 =	rddreg [dreg:$0x6];
	[sflag:s9] =	ssyncadd.s32 @!p1 $0xFFFFD800;
	s7 =	sadd.s32 s5, s7  }
0x7c: {  	[tilespmem:s16], [sflag:$0x3] =	stream.linear.gather [hbm4b:s7+s3], $0x50, $0x38;
	[tilespmem:$0x1E400] =	vst v63  }
0x7d: {  	s11 =	sadd.s32 s5, s11;
	s9 =	simm.s32 @!p1 $0xC  }
0x7e: {  	[tilespmem:s17], [sflag:$0x3] =	stream.linear.gather [hbm4b:s11+s3], $0x50, $0x38;
	[tilespmem:$0x1E400] =	vst v63  }
0x7f: {  	_ =	swait.ge @!p1 [sflag:s9], $0x2800  }
0x80: {  	s7 =	rddreg [dreg:$0x5];
	[sflag:s9] =	ssyncset.done @!p1 $0x0  }
0x81: {  	s11 =	rddreg [dreg:$0x4];
	[sflag:s9] =	ssyncadd.s32 @!p1 $0xFFFFD800;
	s7 =	sadd.s32 s5, s7  }
0x82: {  	[tilespmem:s18], [sflag:$0x4] =	stream.linear.gather [hbm4b:s7+s3], $0x50, $0x38;
	[tilespmem:$0x1E400] =	vst v63  }
0x83: {  	s11 =	sadd.s32 s5, s11  }
0x84: {  	[tilespmem:s19], [sflag:$0x4] =	stream.linear.gather [hbm4b:s11+s3], $0x50, $0x38;
	[tilespmem:$0x1E400] =	vst v63  }
0x85: {  	_ =	swait.ge [sflag:s20], $0x50  }
0x86: {  	[sflag:s20] =	ssyncset.done $0x0  }
0x87: {  	[sflag:s20] =	ssyncadd.s32 $0xFFFFFFB0  }
0x88: {  	_ =	swait.ge [sflag:s20], $0x50  }
0x89: {  	[sflag:s20] =	ssyncset.done $0x0  }
0x8a: {  	[sflag:s20] =	ssyncadd.s32 $0xFFFFFFB0  }
0x8b: {  	[tilespmem:s22], [sflag:$0x5] =	stream.indirect.gather [hbm4b:s4+s21], $0x80, s3, s21, $0xb8;
	[tilespmem:$0x1E400] =	vst v63  }
0x8c: {  	_ =	swait.ge [sflag:s23], $0x50  }
0x8d: {  	[sflag:s23] =	ssyncset.done $0x0  }
0x8e: {  	[sflag:s23] =	ssyncadd.s32 $0xFFFFFFB0  }
0x8f: {  	_ =	swait.ge [sflag:s23], $0x50  }
0x90: {  	[sflag:s23] =	ssyncset.done $0x0  }
0x91: {  	[sflag:s23] =	ssyncadd.s32 $0xFFFFFFB0  }
0x92: {  	[tilespmem:s24], [sflag:$0x6] =	stream.indirect.gather [hbm4b:s4+s21], $0x80, s14, s21, $0xb8;
	[tilespmem:$0x1E400] =	vst v63  }
0x93: {  	_ =	swait.ge [sflag:s25], $0x50  }
0x94: {  	[sflag:s25] =	ssyncset.done $0x0  }
0x95: {  	[sflag:s25] =	ssyncadd.s32 $0xFFFFFFB0  }
0x96: {  	_ =	swait.ge [sflag:s25], $0x50  }
0x97: {  	[sflag:s25] =	ssyncset.done $0x0  }
0x98: {  	[sflag:s25] =	ssyncadd.s32 $0xFFFFFFB0  }
0x99: {  	[tilespmem:s26], [sflag:$0x7] =	stream.indirect.gather [hbm4b:s4+s21], $0x80, s16, s21, $0xb8;
	[tilespmem:$0x1E400] =	vst v63  }
0x9a: {  	_ =	swait.ge [sflag:s28], $0x50  }
0x9b: {  	[sflag:s28] =	ssyncset.done $0x0  }
0x9c: {  	[sflag:s28] =	ssyncadd.s32 $0xFFFFFFB0  }
0x9d: {  	_ =	swait.ge [sflag:s28], $0x50  }
0x9e: {  	[sflag:s28] =	ssyncset.done $0x0  }
0x9f: {  	[sflag:s28] =	ssyncadd.s32 $0xFFFFFFB0  }
0xa0: {  	[tilespmem:s29], [sflag:$0x8] =	stream.indirect.gather [hbm4b:s4+s21], $0x80, s18, s21, $0xb8;
	[tilespmem:$0x1E400] =	vst v63  }
0xa1: {  	_ =	swait.ge [sflag:s30], $0x2800  }
0xa2: {  	[sflag:s30] =	ssyncset.done $0x0  }
0xa3: {  	[sflag:s30] =	ssyncadd.s32 $0xFFFFD800  }
0xa4: {  	[spmem:s1] =	stream.indirect.scatter.add.f32 [tilespmem:s22], [sflag:$0x9], $0x80, s13, s21, $0xb8;
	[tilespmem:$0x1E400] =	vst v63  }
0xa5: {  	_ =	swait.ge [sflag:s31], $0x2800  }
0xa6: {  	[sflag:s31] =	ssyncset.done $0x0  }
0xa7: {  	s8 =	smov.u32 s6;
	s6 =	sadd.s32 $0x28, s6;
	[sflag:s31] =	ssyncadd.s32 $0xFFFFD800  }
0xa8: {  	[spmem:s1] =	stream.indirect.scatter.add.f32 [tilespmem:s24], [sflag:$0xA], $0x80, s15, s21, $0xb8;
	[tilespmem:$0x1E400] =	vst v63  }
0xa9: {  	p0 =	sne.s32 s6, $0x4D8;
	_ =	swait.ge [sflag:s0], $0x2800  }
.Ltmp0:
0xaa: {  	[sflag:s0] =	ssyncset.done $0x0;
	(pc) =	sbr.rel @p0 .LBB2_2-.Ltmp0, $4  }
0xab: {  	[sflag:s0] =	ssyncadd.s32 $0xFFFFD800  }
0xac: {  	[spmem:s1] =	stream.indirect.scatter.add.f32 [tilespmem:s26], [sflag:$0xB], $0x80, s17, s21, $0xb8;
	[tilespmem:$0x1E400] =	vst v63  }
0xad: {  	s5 =	smov.u32 s8;
	_ =	swait.ge [sflag:s2], $0x2800  }
0xae: {  	p1 =	seq.s32 s5, $0x0;
	[sflag:s2] =	ssyncset.done $0x0  }
0xaf: {  	s6 =	simm.s32 @!p1 $0x9;
	[sflag:s2] =	ssyncadd.s32 $0xFFFFD800  }
0xb0: {  	[spmem:s1] =	stream.indirect.scatter.add.f32 [tilespmem:s29], [sflag:$0xC], $0x80, s19, s21, $0xb8;
	[tilespmem:$0x1E400] =	vst v63  }
0xb1: {  	_ =	swait.ge @!p1 [sflag:s6], $0x2800  }
0xb2: {  	s7 =	rddreg [dreg:$0xb];
	[sflag:s6] =	ssyncset.done @!p1 $0x0  }
0xb3: {  	s8 =	rddreg [dreg:$0xa];
	[sflag:s6] =	ssyncadd.s32 @!p1 $0xFFFFD800;
	s7 =	sadd.s32 s5, s7  }
0xb4: {  	[tilespmem:s3], [sflag:$0x1] =	stream.linear.gather [hbm4b:s7+s3], $0x50, $0x38;
	[tilespmem:$0x1E400] =	vst v63  }
0xb5: {  	s8 =	sadd.s32 s5, s8;
	s7 =	simm.s32 @!p1 $0xA  }
0xb6: {  	[tilespmem:s13], [sflag:$0x1] =	stream.linear.gather [hbm4b:s8+s3], $0x50, $0x38;
	[tilespmem:$0x1E400] =	vst v63  }
0xb7: {  	_ =	swait.ge @!p1 [sflag:s7], $0x2800  }
0xb8: {  	s9 =	rddreg [dreg:$0x9];
	[sflag:s7] =	ssyncset.done @!p1 $0x0  }
0xb9: {  	s11 =	rddreg [dreg:$0x8];
	[sflag:s7] =	ssyncadd.s32 @!p1 $0xFFFFD800;
	s6 =	sadd.s32 s5, s9  }
0xba: {  	[tilespmem:s14], [sflag:$0x2] =	stream.linear.gather [hbm4b:s6+s3], $0x50, $0x38;
	[tilespmem:$0x1E400] =	vst v63  }
0xbb: {  	s8 =	sadd.s32 s5, s11;
	s7 =	simm.s32 @!p1 $0xB  }
0xbc: {  	[tilespmem:s15], [sflag:$0x2] =	stream.linear.gather [hbm4b:s8+s3], $0x50, $0x38;
	[tilespmem:$0x1E400] =	vst v63  }
0xbd: {  	_ =	swait.ge @!p1 [sflag:s7], $0x2800  }
0xbe: {  	s9 =	rddreg [dreg:$0x7];
	[sflag:s7] =	ssyncset.done @!p1 $0x0  }
0xbf: {  	s11 =	rddreg [dreg:$0x6];
	[sflag:s7] =	ssyncadd.s32 @!p1 $0xFFFFD800;
	s6 =	sadd.s32 s5, s9  }
0xc0: {  	[tilespmem:s16], [sflag:$0x3] =	stream.linear.gather [hbm4b:s6+s3], $0x50, $0x38;
	[tilespmem:$0x1E400] =	vst v63  }
0xc1: {  	s8 =	sadd.s32 s5, s11;
	s7 =	simm.s32 @!p1 $0xC  }
0xc2: {  	[tilespmem:s17], [sflag:$0x3] =	stream.linear.gather [hbm4b:s8+s3], $0x50, $0x38;
	[tilespmem:$0x1E400] =	vst v63  }
0xc3: {  	_ =	swait.ge @!p1 [sflag:s7], $0x2800  }
0xc4: {  	s9 =	rddreg [dreg:$0x5];
	[sflag:s7] =	ssyncset.done @!p1 $0x0  }
0xc5: {  	s11 =	rddreg [dreg:$0x4];
	[sflag:s7] =	ssyncadd.s32 @!p1 $0xFFFFD800;
	s6 =	sadd.s32 s5, s9  }
0xc6: {  	[tilespmem:s18], [sflag:$0x4] =	stream.linear.gather [hbm4b:s6+s3], $0x50, $0x38;
	[tilespmem:$0x1E400] =	vst v63  }
0xc7: {  	s6 =	sadd.s32 s5, s11  }
0xc8: {  	[tilespmem:s19], [sflag:$0x4] =	stream.linear.gather [hbm4b:s6+s3], $0x50, $0x38;
	[tilespmem:$0x1E400] =	vst v63  }
0xc9: {  	_ =	swait.ge [sflag:s20], $0x50  }
0xca: {  	[sflag:s20] =	ssyncset.done $0x0  }
0xcb: {  	[sflag:s20] =	ssyncadd.s32 $0xFFFFFFB0  }
0xcc: {  	_ =	swait.ge [sflag:s20], $0x50  }
0xcd: {  	[sflag:s20] =	ssyncset.done $0x0  }
0xce: {  	[sflag:s20] =	ssyncadd.s32 $0xFFFFFFB0  }
0xcf: {  	[tilespmem:s22], [sflag:$0x5] =	stream.indirect.gather [hbm4b:s4+s21], $0x80, s3, s21, $0xb8;
	[tilespmem:$0x1E400] =	vst v63  }
0xd0: {  	_ =	swait.ge [sflag:s23], $0x50  }
0xd1: {  	[sflag:s23] =	ssyncset.done $0x0  }
0xd2: {  	[sflag:s23] =	ssyncadd.s32 $0xFFFFFFB0  }
0xd3: {  	_ =	swait.ge [sflag:s23], $0x50  }
0xd4: {  	[sflag:s23] =	ssyncset.done $0x0  }
0xd5: {  	[sflag:s23] =	ssyncadd.s32 $0xFFFFFFB0  }
0xd6: {  	[tilespmem:s24], [sflag:$0x6] =	stream.indirect.gather [hbm4b:s4+s21], $0x80, s14, s21, $0xb8;
	[tilespmem:$0x1E400] =	vst v63  }
0xd7: {  	_ =	swait.ge [sflag:s25], $0x50  }
0xd8: {  	[sflag:s25] =	ssyncset.done $0x0  }
0xd9: {  	[sflag:s25] =	ssyncadd.s32 $0xFFFFFFB0  }
0xda: {  	_ =	swait.ge [sflag:s25], $0x50  }
0xdb: {  	[sflag:s25] =	ssyncset.done $0x0  }
0xdc: {  	[sflag:s25] =	ssyncadd.s32 $0xFFFFFFB0  }
0xdd: {  	[tilespmem:s26], [sflag:$0x7] =	stream.indirect.gather [hbm4b:s4+s21], $0x80, s16, s21, $0xb8;
	[tilespmem:$0x1E400] =	vst v63  }
0xde: {  	_ =	swait.ge [sflag:s28], $0x50  }
0xdf: {  	[sflag:s28] =	ssyncset.done $0x0  }
0xe0: {  	[sflag:s28] =	ssyncadd.s32 $0xFFFFFFB0  }
0xe1: {  	_ =	swait.ge [sflag:s28], $0x50  }
0xe2: {  	[sflag:s28] =	ssyncset.done $0x0  }
0xe3: {  	[sflag:s28] =	ssyncadd.s32 $0xFFFFFFB0  }
0xe4: {  	[tilespmem:s29], [sflag:$0x8] =	stream.indirect.gather [hbm4b:s4+s21], $0x80, s18, s21, $0xb8;
	[tilespmem:$0x1E400] =	vst v63  }
0xe5: {  	_ =	swait.ge [sflag:s30], $0x2800  }
0xe6: {  	[sflag:s30] =	ssyncset.done $0x0  }
0xe7: {  	[sflag:s30] =	ssyncadd.s32 $0xFFFFD800  }
0xe8: {  	[spmem:s1] =	stream.indirect.scatter.add.f32 [tilespmem:s22], [sflag:$0x9], $0x80, s13, s21, $0xb8;
	[tilespmem:$0x1E400] =	vst v63  }
0xe9: {  	_ =	swait.ge [sflag:s31], $0x2800  }
0xea: {  	[sflag:s31] =	ssyncset.done $0x0  }
0xeb: {  	[sflag:s31] =	ssyncadd.s32 $0xFFFFD800  }
0xec: {  	[spmem:s1] =	stream.indirect.scatter.add.f32 [tilespmem:s24], [sflag:$0xA], $0x80, s15, s21, $0xb8;
	[tilespmem:$0x1E400] =	vst v63  }
0xed: {  	_ =	swait.ge [sflag:s0], $0x2800  }
0xee: {  	[sflag:s0] =	ssyncset.done $0x0  }
0xef: {  	[sflag:s0] =	ssyncadd.s32 $0xFFFFD800  }
0xf0: {  	[spmem:s1] =	stream.indirect.scatter.add.f32 [tilespmem:s26], [sflag:$0xB], $0x80, s17, s21, $0xb8;
	[tilespmem:$0x1E400] =	vst v63  }
0xf1: {  	_ =	swait.ge [sflag:s2], $0x2800  }
0xf2: {  	[sflag:s2] =	ssyncset.done $0x0  }
0xf3: {  	s7 =	simm.s32 $0x9;
	[sflag:s2] =	ssyncadd.s32 $0xFFFFD800  }
0xf4: {  	[spmem:s1] =	stream.indirect.scatter.add.f32 [tilespmem:s29], [sflag:$0xC], $0x80, s19, s21, $0xb8;
	[tilespmem:$0x1E400] =	vst v63  }
0xf5: {  	_ =	swait.ge [sflag:s7], $0x2800  }
0xf6: {  	[sflag:s7] =	ssyncset.done $0x0  }
0xf7: {  	s8 =	simm.s32 $0xA;
	[sflag:s7] =	ssyncadd.s32 $0xFFFFD800  }
0xf8: {  	_ =	swait.ge [sflag:s8], $0x2800  }
0xf9: {  	[sflag:s8] =	ssyncset.done $0x0  }
0xfa: {  	s9 =	simm.s32 $0xB;
	[sflag:s8] =	ssyncadd.s32 $0xFFFFD800  }
0xfb: {  	_ =	swait.ge [sflag:s9], $0x2800  }
0xfc: {  	[sflag:s9] =	ssyncset.done $0x0  }
0xfd: {  	s11 =	simm.s32 $0xC;
	[sflag:s9] =	ssyncadd.s32 $0xFFFFD800  }
0xfe: {  	_ =	swait.ge [sflag:s11], $0x2800  }
0xff: {  	[sflag:s11] =	ssyncset.done $0x0  }
0x100: {  	s6 =	rddreg [dreg:$0xf];
	[sflag:s11] =	ssyncadd.s32 $0xFFFFD800  }
0x101: {  	[tilespmem:s3], [sflag:$0x1] =	stream.linear.gather [hbm4b:s6+s3], $0x50, $0x38;
	[tilespmem:$0x1E400] =	vst v63  }
0x102: {  	_ =	swait.ge [sflag:s20], $0x50  }
0x103: {  	[sflag:s20] =	ssyncset.done $0x0  }
0x104: {  	s7 =	rddreg [dreg:$0x10];
	[sflag:s20] =	ssyncadd.s32 $0xFFFFFFB0  }
0x105: {  	[tilespmem:s13], [sflag:$0x1] =	stream.linear.gather [hbm4b:s7+s3], $0x50, $0x38;
	[tilespmem:$0x1E400] =	vst v63  }
0x106: {  	_ =	swait.ge [sflag:s20], $0x50  }
0x107: {  	[sflag:s20] =	ssyncset.done $0x0  }
0x108: {  	[sflag:s20] =	ssyncadd.s32 $0xFFFFFFB0  }
0x109: {  	[tilespmem:s22], [sflag:$0x5] =	stream.indirect.gather [hbm4b:s4+s21], $0x80, s3, s21, $0xb8;
	[tilespmem:$0x1E400] =	vst v63  }
0x10a: {  	_ =	swait.ge [sflag:s30], $0x2800  }
0x10b: {  	[sflag:s30] =	ssyncset.done $0x0  }
0x10c: {  	[sflag:s30] =	ssyncadd.s32 $0xFFFFD800  }
0x10d: {  	[spmem:s1] =	stream.indirect.scatter.add.f32 [tilespmem:s22], [sflag:$0xD], $0x80, s13, s21, $0xb8;
	[tilespmem:$0x1E400] =	vst v63  }
0x10e: {  	_ =	swait.ge [sflag:s12], $0x2800  }
0x10f: {  	[sflag:s12] =	ssyncset.done $0x0  }
0x110: {  	[sflag:s12] =	ssyncadd.s32 $0xFFFFD800  }
0x111: {  	[bflag:$0x0] =	sbarrier.arrive $0xFFFF  }
0x112: {  	s7 =	rddreg [dreg:$0xe]  }
0x113: {  	s8 =	rddreg [dreg:$0x11]  }
0x114: {  	s9 =	rddreg [dreg:$0x13]  }
0x115: {  	[hbm:s8], [sflag:s7] =	dma.local [spmem:s9], $0x2800  }
0x116: {  	_ =	swait.ge [sflag:s12], $0x2800  }
0x117: {  	s10 =	sadd.s32 $0x1, s10;
	s11 =	rddreg [dreg:$0x12]  }
0x118: {  	p0 =	sne.s32 s10, s11  }
.Ltmp1:
0x119: {  	_ = 	snop;
	(pc) =	sbr.rel @p0 .LBB2_1-.Ltmp1, $3  }
0x11a: {  	_ =	sdelay $0x1  }
0x11b: {  	[sflag:s12] =	ssyncset.done $0x0  }
0x11c: {  	[sflag:s12] =	ssyncadd.s32 $0xFFFFD800  }
0x11d: {  	_ =	sfence.sel $0x180000  }
0x11e: {  	[bflag:$0x0] =	sbarrier.arrive $0xFFFF  }
0x11f: {  	_ =	strace $0x9000004A  }
0x120: {  	s0 =	stileid.u32;
	[bflag:$0x2] =	sbarrier.arrive $0xFFFF  }
0x121: {  	p0 =	sne.s32 s0, $0x0;
	s0 =	rddreg [dreg:$0x3]  }
0x122: {  	s0 =	sadd.s32 @!p0 $0x100000, s0  }
0x123: {  	[sflag:s0] =	ssyncadd.tile.s32 @!p0 $0x1;
	_ =	shalt  }
.Lfunc_end2:
_tile_overlayer_lowered:
.L_overlay_start_2:
0x124: {  	(tag) =	ssettag $0x2  }
0x125: {  	s0 =	rddreg [dreg:$0x0];
	s2 =	stileid.u32  }
0x126: {  	s1 =	rddreg [dreg:$0x1];
	p0 =	sne.s32 s2, $0x0  }
0x127: {  	s3 =	rddreg [dreg:$0x2];
	[bflag:$0x3] =	sbarrier.arrive $0xFFFF;
	s2 =	simm.s32 @!p0 $0x1C0D  }
0x128: {  	[timem:s3], [sflag:s2] =	dma.local @!p0 [hbm:s0], s1  }
0x129: {  	s0 =	simm.s32 @!p0 $0xD  }
0x12a: {  	_ =	swait.ge @!p0 [sflag:s0], s1  }
0x12b: {  	s1 =	ssub.s32 @!p0 $0x0, s1;
	[sflag:s0] =	ssyncset.done @!p0 $0x0  }
0x12c: {  	[sflag:s0] =	ssyncadd.s32 @!p0 s1  }
0x12d: {  	[bflag:$0x3] =	sbarrier.arrive $0xFFFF  }
0x12e: {  	_ =	shalt  }

// kernel: kernel.8.cloned.1.call-start
scs
__scs_entry_jumppad:
0x0: {  	(pc) =	sbr.rel $0x88, $3  }
0x1: {  	(tag) =	ssettag $0x0;
	lr =	simm.s32 $0x1  }
0x2: {  	[smem:$0x3F9B] =	sst lr;
	_ =	strace $0xD0000000  }
0x3: {  	_ = 	snop  }
0x4: {  	_ = 	snop  }
0x5: {  	_ = 	snop  }
0x6: {  	_ = 	snop  }
0x7: {  	_ = 	snop  }
__scs_overlays_trampoline_lowered:
0x8: {  	[smem:$0x3FAA] =	sst s0  }
0x9: {  	[smem:$0x3FAB] =	sst s1  }
0xa: {  	[smem:$0x3FAC] =	sst s2  }
0xb: {  	[smem:$0x3FAD] =	sst s3  }
0xc: {  	[smem:$0x3FAE] =	sst s4  }
0xd: {  	[smem:$0x3FAF] =	sst s5  }
0xe: {  	[smem:$0x3FB0] =	sst s6  }
0xf: {  	[smem:$0x3FB1] =	sst s7  }
0x10: {  	[smem:$0x3FB2] =	sst s8  }
0x11: {  	[smem:$0x3FB3] =	sst s9;
	s0 =	simm.s32 @!p0 $0x0  }
0x12: {  	s1 =	sld [smem:$0x3F99];
	s0 =	simm.s32 @p0 $0x1  }
0x13: {  	[smem:$0x3FB4] =	sst s0;
	s0 =	simm.s32 @!p1 $0x0  }
0x14: {  	s2 =	sld [smem:$0x3F98];
	s0 =	simm.s32 @p1 $0x1  }
0x15: {  	[smem:$0x3FB5] =	sst s0;
	s0 =	simm.s32 @!p2 $0x0  }
0x16: {  	s3 =	sld [smem:$0x3FDB];
	s0 =	simm.s32 @p2 $0x1  }
0x17: {  	s4 =	simm.s32 $0x1BF5;
	[smem:$0x3FB7] =	sst s0  }
0x18: {  	s0 =	sld [smem:$0x3F9A];
	_ =	swait.ge [sflag:s4], $0x0  }
0x19: {  	s7 =	sld [smem:$0x3F9B]  }
0x1a: {  	s8 =	sadd.s32 $0xFFFFE003, lr  }
0x1b: {  	s9 =	sadd.s32 $0xFFFFFEF7, lr;
	s5 =	simm.s32 $0xFFFFFFFF;
	p2 =	slt.u32 s8, $0xFFFFF086  }
0x1c: {  	p1 =	slt.u32 s9, $0xF7A;
	s5 =	simm.s32 @!p2 $0x0  }
0x1d: {  	s5 =	simm.s32 @p1 $0x1;
	p0 =	seq.s32 s7, s2  }
0x1e: {  	s7 =	smul.u32 @!p0 $0xF7A, s2;
	p2 =	seq.s32 @!p0 s5, $0x0  }
0x1f: {  	s9 =	smul.u32 $0xF7A, s1;
	s8 =	simm.s32 @!p0 $0x1BF5;
	p2 =	por !p2, p0  }
0x20: {  	[sflag:s8] =	ssyncset.s32 @!p0 $0xFFFFF086;
	s6 =	sadd.s32 @!p0 s3, s7;
	s7 =	simm.s32 @!p0 $0x108  }
0x21: {  	s3 =	sadd.s32 s3, s9;
	s6 =	sadd.s32 @!p0 $0x88, s6;
	s7 =	simm.s32 @p2 $0x1082  }
0x22: {  	[simem:s7], [sflag:s8] =	dma.local @!p0 [hbm:s6], $0xF7A  }
0x23: {  	s9 =	sor.u32 $0xD0000000, s2;
	s6 =	simm.s32 $0x108;
	_ =	swait.ge @!p0 [sflag:s8], $0x0  }
0x24: {  	s3 =	sadd.s32 $0x88, s3;
	s6 =	simm.s32 @!p1 $0x1082;
	[sflag:s4] =	ssyncset.s32 $0xFFFFF086  }
0x25: {  	[simem:s6], [sflag:s4] =	dma.local [hbm:s3], $0xF7A  }
0x26: {  	[smem:$0x3F9B] =	sst s1;
	(tag) =	ssettag s2;
	_ =	strace s9  }
0x27: {  	s1 =	sld [smem:$0x3FAB]  }
0x28: {  	s2 =	sld [smem:$0x3FAC]  }
0x29: {  	s4 =	sld [smem:$0x3FAE]  }
0x2a: {  	p0 =	seq.s32 s5, $0x0;
	s5 =	sld [smem:$0x3FAF]  }
0x2b: {  	s6 =	sld [smem:$0x3FB0]  }
0x2c: {  	s7 =	sld [smem:$0x3FB1]  }
0x2d: {  	s3 =	simm.s32 $0x108;
	s8 =	sld [smem:$0x3FB2]  }
0x2e: {  	s3 =	simm.s32 @!p0 $0x1082;
	s9 =	sld [smem:$0x3FB3]  }
0x2f: {  	lr =	sadd.s32 s0, s3;
	s0 =	sld [smem:$0x3FAA]  }
0x30: {  	s3 =	sld [smem:$0x3FAD]  }
0x31: {  	[smem:$0x3FB6] =	sst s10  }
0x32: {  	s10 =	sld [smem:$0x3FB4];
	_ =	sdelay $0x3  }
0x33: {  	p0 =	seq.s32 s10, $0x1;
	s10 =	sld [smem:$0x3FB6];
	_ =	sdelay $0x3  }
0x34: {  	[smem:$0x3FB6] =	sst s10  }
0x35: {  	s10 =	sld [smem:$0x3FB5];
	_ =	sdelay $0x3  }
0x36: {  	p1 =	seq.s32 s10, $0x1;
	s10 =	sld [smem:$0x3FB6];
	_ =	sdelay $0x3  }
0x37: {  	[smem:$0x3FB6] =	sst s10  }
0x38: {  	s10 =	sld [smem:$0x3FB7]  }
0x39: {  	_ = 	snop;
	(pc) =	sbr.ind lr, $3  }
0x3a: {  	_ = 	snop  }
0x3b: {  	_ = 	snop  }
0x3c: {  	p2 =	seq.s32 s10, $0x1;
	s10 =	sld [smem:$0x3FB6]  }
0x3d: {  	_ =	shalt  }
0x3e: {  	_ =	shalt  }
0x3f: {  	_ =	shalt  }
0x40: {  	_ =	shalt  }
0x41: {  	_ =	shalt  }
0x42: {  	_ =	shalt  }
0x43: {  	_ =	shalt  }
0x44: {  	_ =	shalt  }
0x45: {  	_ =	shalt  }
0x46: {  	_ =	shalt  }
0x47: {  	_ =	shalt  }
0x48: {  	_ =	shalt  }
0x49: {  	_ =	shalt  }
0x4a: {  	_ =	shalt  }
0x4b: {  	_ =	shalt  }
0x4c: {  	_ =	shalt  }
0x4d: {  	_ =	shalt  }
0x4e: {  	_ =	shalt  }
0x4f: {  	_ =	shalt  }
0x50: {  	_ =	shalt  }
0x51: {  	_ =	shalt  }
0x52: {  	_ =	shalt  }
0x53: {  	_ =	shalt  }
0x54: {  	_ =	shalt  }
0x55: {  	_ =	shalt  }
0x56: {  	_ =	shalt  }
0x57: {  	_ =	shalt  }
0x58: {  	_ =	shalt  }
0x59: {  	_ =	shalt  }
0x5a: {  	_ =	shalt  }
0x5b: {  	_ =	shalt  }
0x5c: {  	_ =	shalt  }
0x5d: {  	_ =	shalt  }
0x5e: {  	_ =	shalt  }
0x5f: {  	_ =	shalt  }
0x60: {  	_ =	shalt  }
0x61: {  	_ =	shalt  }
0x62: {  	_ =	shalt  }
0x63: {  	_ =	shalt  }
0x64: {  	_ =	shalt  }
0x65: {  	_ =	shalt  }
0x66: {  	_ =	shalt  }
0x67: {  	_ =	shalt  }
0x68: {  	_ =	shalt  }
0x69: {  	_ =	shalt  }
0x6a: {  	_ =	shalt  }
0x6b: {  	_ =	shalt  }
0x6c: {  	_ =	shalt  }
0x6d: {  	_ =	shalt  }
0x6e: {  	_ =	shalt  }
0x6f: {  	_ =	shalt  }
0x70: {  	_ =	shalt  }
0x71: {  	_ =	shalt  }
0x72: {  	_ =	shalt  }
0x73: {  	_ =	shalt  }
0x74: {  	_ =	shalt  }
0x75: {  	_ =	shalt  }
0x76: {  	_ =	shalt  }
0x77: {  	_ =	shalt  }
0x78: {  	_ =	shalt  }
0x79: {  	_ =	shalt  }
0x7a: {  	_ =	shalt  }
0x7b: {  	_ =	shalt  }
0x7c: {  	_ =	shalt  }
0x7d: {  	_ =	shalt  }
0x7e: {  	_ =	shalt  }
0x7f: {  	_ =	shalt  }
0x80: {  	_ =	shalt  }
0x81: {  	_ =	shalt  }
0x82: {  	_ =	shalt  }
0x83: {  	_ =	shalt  }
0x84: {  	_ =	shalt  }
0x85: {  	_ =	shalt  }
0x86: {  	_ =	shalt  }
0x87: {  	_ =	shalt  }
.Lfunc_end0:
.L_simem_size_0:
called_computation_lowered:
.L_overlay_start_0:
0x88: {  	s2 =	sld [smem:$0x3FD9]  }
0x89: {  	s3 =	sld [smem:$0x3FFE];
	_ =	sdelay $0x1  }
0x8a: {  	s1 =	srdreg.scid  }
0x8b: {  	s0 =	sand.u32 $0x1, s1  }
0x8c: {  	s17 =	sshll.u32 s0, $0xA;
	s2 =	sadd.s32 s3, s2  }
0x8d: {  	s2 =	sadd.s32 s2, s17  }
0x8e: {  	[smem:$0x3FC2] =	sst s2  }
0x8f: {  	_ = 	snop  }
0x90: {  	s2 =	sld [smem:$0x3FD0];
	(tm) =	ssettm $0x1  }
0x91: {  	s18 =	sld [smem:$0x3FFB];
	_ =	sdelay $0x3  }
0x92: {  	_ =	strace s18  }
0x93: {  	s3 =	sld [smem:$0x3FFC];
	_ =	sdelay $0x3  }
0x94: {  	_ =	strace s3  }
0x95: {  	s3 =	sld [smem:$0x3FFD];
	_ =	sdelay $0x3  }
0x96: {  	_ =	strace s3  }
0x97: {  	_ =	strace $0x8FFFFFFF  }
0x98: {  	s19 =	sld [smem:$0x3FDB];
	_ =	sdelay $0x1  }
0x99: {  	s4 =	simm.s32 $_scs_section_size  }
0x9a: {  	s5 =	simm.s32 $_size__tile_overlayer_lowered;
	s6 =	simm.s32 $_tile_overlayer_lowered  }
0x9b: {  	s22 =	simm.s32 $0x1BFF;
	s21 =	sshll.u32 s6, $0x1;
	s3 =	sadd.s32 s4, s19  }
0x9c: {  	s7 =	simm.s32 $0x0;
	s20 =	sshll.u32 s5, $0x1;
	s5 =	sadd.s32 s21, s3  }
0x9d: {  	[timem:s7], [sflag:s22] =	dma.local [hbm:s5], s20  }
0x9e: {  	_ =	swait.ge [sflag:s22], s20  }
0x9f: {  	s4 =	ssub.s32 $0x0, s20;
	[sflag:s22] =	ssyncset.done $0x0  }
0xa0: {  	[sflag:s22] =	ssyncadd.s32 s4;
	_ =	sdelay $0x1  }
0xa1: {  	s23 =	simm.s32 $0x1B8B  }
0xa2: {  	_ =	swait.ge [sflag:s23], $0x1  }
0xa3: {  	[sflag:s23] =	ssyncset.done $0x0  }
0xa4: {  	s25 =	simm.s32 $0x1B8E;
	s24 =	sld [smem:$0x3FFE];
	[sflag:s23] =	ssyncadd.s32 $0xFFFFFFFF  }
0xa5: {  	s26 =	simm.s32 $execute0_lowered;
	[smem:$0x3FD2] =	sst s25  }
0xa6: {  	s5 =	sshll.u32 s26, $0x1;
	_ =	strace $0x80000046;
	[dreg:$0x1] =	wrdreg $0xFFFFFFFF  }
0xa7: {  	s28 =	simm.s32 $_size_execute0_lowered;
	s3 =	sadd.s32 s3, s5;
	[dreg:$0x0] =	wrdreg $0x0  }
0xa8: {  	s5 =	sshll.u32 s28, $0x1;
	[dreg:$0x2] =	wrdreg s3  }
0xa9: {  	[dreg:$0x3] =	wrdreg s5  }
0xaa: {  	[dreg:$0x4] =	wrdreg $0xC0  }
0xab: {  	_ =	task [dreg:s7], $0x5FFFF  }
0xac: {  	[dreg:$0x1] =	wrdreg $0xFFFFFFFF  }
0xad: {  	[dreg:$0x0] =	wrdreg $0x60  }
0xae: {  	[dreg:$0x2] =	wrdreg s2  }
0xaf: {  	[dreg:$0x3] =	wrdreg s24  }
0xb0: {  	[dreg:$0x4] =	wrdreg $0x2800  }
0xb1: {  	[dreg:$0x5] =	wrdreg $0x9  }
0xb2: {  	_ =	task.clear_ibuf [dreg:s7], $0x6FFFF;
	_ =	strace $0x90000046  }
0xb3: {  	s29 =	simm.s32 $0x9;
	_ =	strace $0x80000048  }
0xb4: {  	_ =	swait.ge [sflag:s29], $0x1  }
0xb5: {  	[sflag:s29] =	ssyncadd.s32 $0xFFFFFFFF  }
0xb6: {  	_ =	strace $0x90000048  }
0xb7: {  	_ =	sfence  }
0xb8: {  	s30 =	sld [smem:$0x0];
	_ =	sdelay $0x2  }
0xb9: {  	s31 =	sshll.u32 s1, $0xD;
	s1 =	sshrl.u32 s1, $0x2  }
0xba: {  	s3 =	sand.u32 $0x4000, s31;
	s1 =	sadd.s32 s1, s30  }
0xbb: {  	s0 =	sor.u32 s3, s0;
	s1 =	sshll.u32 s1, $0x11  }
0xbc: {  	s0 =	sor.u32 s1, s0  }
0xbd: {  	s0 =	sadd.s32 $0x8F2B, s0  }
0xbe: {  	[sflag:s0] =	ssyncadd.remote.s32 $0x1  }
0xbf: {  	_ =	sfence.sel $0xFFFF  }
0xc0: {  	[dreg:$0x0] =	wrdreg $0xFFFFFFFF;
	(pc) =	sbr.abs _section_cstart, $3  }
0xc1: {  	[dreg:$0x1] =	wrdreg $0xFFFFFFFF  }
0xc2: {  	_ =	task.clear_ibuf [dreg:s7], $0x2FFFF;
	_ =	strace $0x9FFFFFFF  }
0xc3: {  	(tm) =	ssettm $0x7FFFFFFF  }
tec
execute0_lowered:
.L_overlay_start_1:
0x0: {  	(tag) =	ssettag $0x1  }
0x1: {  	s1 =	rddreg [dreg:$0x0]  }
0x2: {  	s0 =	rddreg [dreg:$0x1]  }
0x3: {  	s3 =	rddreg [dreg:$0x2]  }
0x4: {  	s4 =	simm.s32 $0x0;
	s11 =	stileid.u32;
	s5 =	srdreg.scid  }
0x5: {  	s28 =	simm.s32 $0x3;
	s29 =	simm.s32 $0x4;
	s30 =	simm.s32 $0x5  }
0x6: {  	s31 =	simm.s32 $0x6;
	[smem:$0x7FF] =	sst s4;
	s2 =	smul.u32 $0x280, s11  }
0x7: {  	s5 =	sand.u32 $0x1, s5;
	s7 =	smul.u32 $0x500, s11;
	s18 =	sshll.u32 s11, $0x6  }
0x8: {  	s19 =	smul.u32 $0x2710, s11;
	_ =	strace $0x80000047;
	s8 =	sshll.u32 s5, $0x7  }
0x9: {  	s9 =	sshll.u32 s5, $0x4;
	s16 =	ssub.s32 $0x2, s5;
	s5 =	smul.u32 $0x27100, s5  }
0xa: {  	s6 =	sshrl.u32 s2, $0x3;
	s7 =	sor.u32 s8, s7;
	s9 =	sor.u32 s11, s9  }
0xb: {  	s10 =	sshrl.u32 s16, $0x1;
	s2 =	sadd.s32 s2, s3;
	s6 =	sadd.s32 s6, s0  }
0xc: {  	s7 =	sshrl.u32 s7, $0x3;
	s9 =	smul.u32 $0x2710, s9;
	s8 =	ssub.s32 s16, s10  }
0xd: {  	s23 =	sadd.s32 s19, s5;
	s19 =	simm.s32 $0x9;
	s0 =	sadd.s32 s7, s0  }
0xe: {  	s6 =	sadd.s32 $0xC000, s6;
	s7 =	sor.u32 $0x1C09, s18;
	s22 =	smax.u32 s8, $0x1  }
0xf: {  	s5 =	sadd.s32 $0x230, s23;
	s24 =	sadd.s32 $0x1E0, s23;
	s18 =	sshrl.u32 s2, $0x3  }
0x10: {  	s2 =	simm.s32 $0x8;
	[dreg:$0x4] =	wrdreg s6;
	s17 =	sshrl.u32 s9, $0x3  }
0x11: {  	s0 =	sadd.s32 $0xC600, s0;
	[dreg:$0x8] =	wrdreg s22;
	s5 =	sshrl.u32 s5, $0x3  }
0x12: {  	s9 =	sadd.s32 $0x190, s23;
	s25 =	sshrl.u32 s24, $0x3;
	s22 =	simm.s32 $0x180  }
0x13: {  	s24 =	simm.s32 $0x50;
	s6 =	sadd.s32 s1, s17;
	[dreg:$0x7] =	wrdreg s0  }
0x14: {  	s14 =	sadd.s32 s5, s1;
	s26 =	sshrl.u32 s9, $0x3;
	s15 =	sadd.s32 s25, s1  }
0x15: {  	s17 =	sadd.s32 $0x140, s23;
	s23 =	simm.s32 $0x1;
	s25 =	simm.s32 $0x200  }
0x16: {  	s0 =	simm.s32 $0x7;
	s5 =	simm.s32 $0x0;
	s20 =	sadd.s32 $0xA, s6  }
0x17: {  	s21 =	sadd.s32 $0x4D8, s6;
	s12 =	sadd.s32 $0x14, s6;
	s13 =	sadd.s32 $0x1E, s6  }
0x18: {  	s16 =	sadd.s32 s26, s1;
	s26 =	simm.s32 $0x2;
	[dreg:$0x5] =	wrdreg s20  }
0x19: {  	v0 =	vimm.f32 $1.000000000e+00;
	[dreg:$0x6] =	wrdreg s21;
	s20 =	simm.s32 $0x80;
	s21 =	simm.s32 $0x100  }
.LBB2_1:
0x1a: {  	[tilespmem:$0x200] =	vst v0  }
0x1b: {  	[tilespmem:$0x210] =	vst v0  }
0x1c: {  	[tilespmem:$0x220] =	vst v0  }
0x1d: {  	[tilespmem:$0x230] =	vst v0  }
0x1e: {  	[tilespmem:$0x240] =	vst v0;
	s8 =	rddreg [dreg:$0x4]  }
0x1f: {  	[spmem:s18], [sflag:s7] =	dma.local [hbm:s8], $0x50  }
0x20: {  	_ =	swait.ge [sflag:s19], $0x50  }
0x21: {  	[sflag:s19] =	ssyncset.done $0x0  }
0x22: {  	[sflag:s19] =	ssyncadd.s32 $0xFFFFFFB0  }
0x23: {  	[bflag:$0x0] =	sbarrier.arrive $0xFFFF  }
0x24: {  	[tilespmem:s4], [sflag:$0x1] =	stream.linear.gather [hbm4b:s6+s4], $0x50, $0x38;
	[tilespmem:$0x500] =	vst v63  }
0x25: {  	s10 =	rddreg [dreg:$0x5]  }
0x26: {  	[tilespmem:s20], [sflag:$0x2] =	stream.linear.gather [hbm4b:s10+s4], $0x50, $0x38;
	[tilespmem:$0x500] =	vst v63  }
0x27: {  	_ = 	snop  }
0x28: {  	[tilespmem:s21], [sflag:$0x3] =	stream.linear.gather [hbm4b:s12+s4], $0x50, $0x38;
	[tilespmem:$0x500] =	vst v63  }
0x29: {  	_ = 	snop  }
0x2a: {  	[tilespmem:s22], [sflag:$0x4] =	stream.linear.gather [hbm4b:s13+s4], $0x50, $0x38;
	[tilespmem:$0x500] =	vst v63  }
0x2b: {  	_ =	swait.ge [sflag:s23], $0x50  }
0x2c: {  	[sflag:s23] =	ssyncset.done $0x0  }
0x2d: {  	[sflag:s23] =	ssyncadd.s32 $0xFFFFFFB0  }
0x2e: {  	[spmem:s3] =	stream.indirect.scatter.add.f32 [tilespmem:s25], [sflag:$0x5], $0x1, s4, s24, $0xb8;
	[tilespmem:$0x500] =	vst v63  }
0x2f: {  	_ =	swait.ge [sflag:s26], $0x50  }
0x30: {  	[sflag:s26] =	ssyncset.done $0x0  }
0x31: {  	[sflag:s26] =	ssyncadd.s32 $0xFFFFFFB0  }
0x32: {  	[spmem:s3] =	stream.indirect.scatter.add.f32 [tilespmem:s25], [sflag:$0x6], $0x1, s20, s24, $0xb8;
	[tilespmem:$0x500] =	vst v63  }
0x33: {  	_ =	swait.ge [sflag:s28], $0x50  }
0x34: {  	[sflag:s28] =	ssyncset.done $0x0  }
0x35: {  	[sflag:s28] =	ssyncadd.s32 $0xFFFFFFB0  }
0x36: {  	[spmem:s3] =	stream.indirect.scatter.add.f32 [tilespmem:s25], [sflag:$0x7], $0x1, s21, s24, $0xb8;
	[tilespmem:$0x500] =	vst v63  }
0x37: {  	_ =	swait.ge [sflag:s29], $0x50  }
0x38: {  	[sflag:s29] =	ssyncset.done $0x0  }
0x39: {  	[sflag:s29] =	ssyncadd.s32 $0xFFFFFFB0  }
0x3a: {  	[spmem:s3] =	stream.indirect.scatter.add.f32 [tilespmem:s25], [sflag:$0x8], $0x1, s22, s24, $0xb8;
	[tilespmem:$0x500] =	vst v63  }
0x3b: {  	_ =	swait.ge [sflag:s30], $0x50  }
0x3c: {  	s11 =	sshrl.u32 s17, $0x3;
	[sflag:s30] =	ssyncset.done $0x0  }
0x3d: {  	s8 =	sadd.s32 s1, s11;
	[sflag:s30] =	ssyncadd.s32 $0xFFFFFFB0  }
0x3e: {  	[tilespmem:s4], [sflag:$0x1] =	stream.linear.gather [hbm4b:s8+s4], $0x50, $0x38;
	[tilespmem:$0x500] =	vst v63  }
0x3f: {  	_ =	swait.ge [sflag:s31], $0x50  }
0x40: {  	[sflag:s31] =	ssyncset.done $0x0  }
0x41: {  	s9 =	sadd.s32 $0x0, s16;
	[sflag:s31] =	ssyncadd.s32 $0xFFFFFFB0  }
0x42: {  	[tilespmem:s20], [sflag:$0x2] =	stream.linear.gather [hbm4b:s9+s4], $0x50, $0x38;
	[tilespmem:$0x500] =	vst v63  }
0x43: {  	_ =	swait.ge [sflag:s0], $0x50  }
0x44: {  	[sflag:s0] =	ssyncset.done $0x0  }
0x45: {  	s10 =	sadd.s32 $0x0, s15;
	[sflag:s0] =	ssyncadd.s32 $0xFFFFFFB0  }
0x46: {  	[tilespmem:s21], [sflag:$0x3] =	stream.linear.gather [hbm4b:s10+s4], $0x50, $0x38;
	[tilespmem:$0x500] =	vst v63  }
0x47: {  	_ =	swait.ge [sflag:s2], $0x50  }
0x48: {  	[sflag:s2] =	ssyncset.done $0x0  }
0x49: {  	s11 =	sadd.s32 $0x0, s14;
	[sflag:s2] =	ssyncadd.s32 $0xFFFFFFB0  }
0x4a: {  	[tilespmem:s22], [sflag:$0x4] =	stream.linear.gather [hbm4b:s11+s4], $0x50, $0x38;
	[tilespmem:$0x500] =	vst v63  }
0x4b: {  	_ =	swait.ge [sflag:s23], $0x50  }
0x4c: {  	[sflag:s23] =	ssyncset.done $0x0  }
0x4d: {  	[sflag:s23] =	ssyncadd.s32 $0xFFFFFFB0  }
0x4e: {  	[spmem:s3] =	stream.indirect.scatter.add.f32 [tilespmem:s25], [sflag:$0x5], $0x1, s4, s24, $0xb8;
	[tilespmem:$0x500] =	vst v63  }
0x4f: {  	_ =	swait.ge [sflag:s26], $0x50  }
0x50: {  	[sflag:s26] =	ssyncset.done $0x0  }
0x51: {  	[sflag:s26] =	ssyncadd.s32 $0xFFFFFFB0  }
0x52: {  	[spmem:s3] =	stream.indirect.scatter.add.f32 [tilespmem:s25], [sflag:$0x6], $0x1, s20, s24, $0xb8;
	[tilespmem:$0x500] =	vst v63  }
0x53: {  	_ =	swait.ge [sflag:s28], $0x50  }
0x54: {  	[sflag:s28] =	ssyncset.done $0x0  }
0x55: {  	[sflag:s28] =	ssyncadd.s32 $0xFFFFFFB0  }
0x56: {  	[spmem:s3] =	stream.indirect.scatter.add.f32 [tilespmem:s25], [sflag:$0x7], $0x1, s21, s24, $0xb8;
	[tilespmem:$0x500] =	vst v63  }
0x57: {  	_ =	swait.ge [sflag:s29], $0x50  }
0x58: {  	[sflag:s29] =	ssyncset.done $0x0  }
0x59: {  	s8 =	simm.s32 $0x28;
	s9 =	sadd.s32 $0x140, s17;
	[sflag:s29] =	ssyncadd.s32 $0xFFFFFFB0  }
.LBB2_2:
0x5a: {  	[spmem:s3] =	stream.indirect.scatter.add.f32 [tilespmem:s25], [sflag:$0x8], $0x1, s22, s24, $0xb8;
	[tilespmem:$0x500] =	vst v63  }
0x5b: {  	s10 =	smov.u32 s8  }
0x5c: {  	p0 =	sne.s32 s8, $0x488;
	s8 =	sadd.s32 $0x28, s8;
	_ =	swait.ge [sflag:s30], $0x50  }
0x5d: {  	s11 =	sshrl.u32 s9, $0x3;
	[sflag:s30] =	ssyncset.done $0x0  }
0x5e: {  	s11 =	sadd.s32 s1, s11;
	[sflag:s30] =	ssyncadd.s32 $0xFFFFFFB0  }
0x5f: {  	[tilespmem:s4], [sflag:$0x1] =	stream.linear.gather [hbm4b:s11+s4], $0x50, $0x38;
	[tilespmem:$0x500] =	vst v63  }
0x60: {  	_ =	swait.ge [sflag:s31], $0x50  }
0x61: {  	[sflag:s31] =	ssyncset.done $0x0  }
0x62: {  	s11 =	sadd.s32 s10, s16;
	[sflag:s31] =	ssyncadd.s32 $0xFFFFFFB0  }
0x63: {  	[tilespmem:s20], [sflag:$0x2] =	stream.linear.gather [hbm4b:s11+s4], $0x50, $0x38;
	[tilespmem:$0x500] =	vst v63  }
0x64: {  	_ =	swait.ge [sflag:s0], $0x50  }
0x65: {  	[sflag:s0] =	ssyncset.done $0x0  }
0x66: {  	s11 =	sadd.s32 s10, s15;
	[sflag:s0] =	ssyncadd.s32 $0xFFFFFFB0  }
0x67: {  	[tilespmem:s21], [sflag:$0x3] =	stream.linear.gather [hbm4b:s11+s4], $0x50, $0x38;
	[tilespmem:$0x500] =	vst v63  }
0x68: {  	_ =	swait.ge [sflag:s2], $0x50  }
0x69: {  	[sflag:s2] =	ssyncset.done $0x0  }
0x6a: {  	s10 =	sadd.s32 s10, s14;
	[sflag:s2] =	ssyncadd.s32 $0xFFFFFFB0  }
0x6b: {  	[tilespmem:s22], [sflag:$0x4] =	stream.linear.gather [hbm4b:s10+s4], $0x50, $0x38;
	[tilespmem:$0x500] =	vst v63  }
0x6c: {  	_ =	swait.ge [sflag:s23], $0x50  }
0x6d: {  	[sflag:s23] =	ssyncset.done $0x0  }
0x6e: {  	[sflag:s23] =	ssyncadd.s32 $0xFFFFFFB0  }
0x6f: {  	[spmem:s3] =	stream.indirect.scatter.add.f32 [tilespmem:s25], [sflag:$0x5], $0x1, s4, s24, $0xb8;
	[tilespmem:$0x500] =	vst v63  }
0x70: {  	_ =	swait.ge [sflag:s26], $0x50  }
0x71: {  	[sflag:s26] =	ssyncset.done $0x0  }
0x72: {  	[sflag:s26] =	ssyncadd.s32 $0xFFFFFFB0  }
0x73: {  	[spmem:s3] =	stream.indirect.scatter.add.f32 [tilespmem:s25], [sflag:$0x6], $0x1, s20, s24, $0xb8;
	[tilespmem:$0x500] =	vst v63  }
0x74: {  	_ =	swait.ge [sflag:s28], $0x50  }
0x75: {  	[sflag:s28] =	ssyncset.done $0x0  }
.Ltmp0:
0x76: {  	[sflag:s28] =	ssyncadd.s32 $0xFFFFFFB0;
	(pc) =	sbr.rel @p0 .LBB2_2-.Ltmp0, $4  }
0x77: {  	[spmem:s3] =	stream.indirect.scatter.add.f32 [tilespmem:s25], [sflag:$0x7], $0x1, s21, s24, $0xb8;
	[tilespmem:$0x500] =	vst v63  }
0x78: {  	_ =	swait.ge [sflag:s29], $0x50  }
0x79: {  	[sflag:s29] =	ssyncset.done $0x0  }
0x7a: {  	s9 =	sadd.s32 $0x140, s9;
	[sflag:s29] =	ssyncadd.s32 $0xFFFFFFB0  }
0x7b: {  	[spmem:s3] =	stream.indirect.scatter.add.f32 [tilespmem:s25], [sflag:$0x8], $0x1, s22, s24, $0xb8;
	[tilespmem:$0x500] =	vst v63  }
0x7c: {  	_ =	swait.ge [sflag:s30], $0x50  }
0x7d: {  	[sflag:s30] =	ssyncset.done $0x0  }
0x7e: {  	[sflag:s30] =	ssyncadd.s32 $0xFFFFFFB0  }
0x7f: {  	_ =	swait.ge [sflag:s31], $0x50  }
0x80: {  	[sflag:s31] =	ssyncset.done $0x0  }
0x81: {  	[sflag:s31] =	ssyncadd.s32 $0xFFFFFFB0  }
0x82: {  	_ =	swait.ge [sflag:s0], $0x50  }
0x83: {  	[sflag:s0] =	ssyncset.done $0x0  }
0x84: {  	[sflag:s0] =	ssyncadd.s32 $0xFFFFFFB0  }
0x85: {  	_ =	swait.ge [sflag:s2], $0x50  }
0x86: {  	[sflag:s2] =	ssyncset.done $0x0  }
0x87: {  	s8 =	rddreg [dreg:$0x6];
	[sflag:s2] =	ssyncadd.s32 $0xFFFFFFB0  }
0x88: {  	[tilespmem:s4], [sflag:$0x1] =	stream.linear.gather [hbm4b:s8+s4], $0x50, $0x38;
	[tilespmem:$0x500] =	vst v63  }
0x89: {  	_ =	swait.ge [sflag:s23], $0x50  }
0x8a: {  	[sflag:s23] =	ssyncset.done $0x0  }
0x8b: {  	[sflag:s23] =	ssyncadd.s32 $0xFFFFFFB0  }
0x8c: {  	[spmem:s3] =	stream.indirect.scatter.add.f32 [tilespmem:s25], [sflag:$0x5], $0x1, s4, s24, $0xb8;
	[tilespmem:$0x500] =	vst v63  }
0x8d: {  	_ =	swait.ge [sflag:s30], $0x50  }
0x8e: {  	[sflag:s30] =	ssyncset.done $0x0  }
0x8f: {  	[sflag:s30] =	ssyncadd.s32 $0xFFFFFFB0  }
0x90: {  	[bflag:$0x0] =	sbarrier.arrive $0xFFFF  }
0x91: {  	s9 =	simm.s32 $0x20;
	s10 =	simm.s32 $0x10;
	s11 =	rddreg [dreg:$0x7]  }
0x92: {  	[hbm:s11@s9], [sflag:s7] =	dma.strided [spmem:s18@s10], $0x50, s23, $0x10   }
0x93: {  	_ =	swait.ge [sflag:s19], $0x50  }
0x94: {  	s5 =	sadd.s32 $0x1, s5;
	s11 =	rddreg [dreg:$0x8]  }
0x95: {  	p0 =	sne.s32 s5, s11  }
.Ltmp1:
0x96: {  	_ = 	snop;
	(pc) =	sbr.rel @p0 .LBB2_1-.Ltmp1, $3  }
0x97: {  	_ =	sdelay $0x1  }
0x98: {  	[sflag:s19] =	ssyncset.done $0x0  }
0x99: {  	[sflag:s19] =	ssyncadd.s32 $0xFFFFFFB0  }
0x9a: {  	_ =	sfence.sel $0x180000  }
0x9b: {  	[bflag:$0x0] =	sbarrier.arrive $0xFFFF  }
0x9c: {  	_ =	strace $0x90000047  }
0x9d: {  	s0 =	stileid.u32;
	[bflag:$0x2] =	sbarrier.arrive $0xFFFF  }
0x9e: {  	p0 =	sne.s32 s0, $0x0;
	s0 =	rddreg [dreg:$0x3]  }
0x9f: {  	s0 =	sadd.s32 @!p0 $0x100000, s0  }
0xa0: {  	[sflag:s0] =	ssyncadd.tile.s32 @!p0 $0x1;
	_ =	shalt  }
.Lfunc_end2:
_tile_overlayer_lowered:
.L_overlay_start_2:
0xa1: {  	(tag) =	ssettag $0x2  }
0xa2: {  	s0 =	rddreg [dreg:$0x0];
	s2 =	stileid.u32  }
0xa3: {  	s1 =	rddreg [dreg:$0x1];
	p0 =	sne.s32 s2, $0x0  }
0xa4: {  	s3 =	rddreg [dreg:$0x2];
	[bflag:$0x3] =	sbarrier.arrive $0xFFFF;
	s2 =	simm.s32 @!p0 $0x1C09  }
0xa5: {  	[timem:s3], [sflag:s2] =	dma.local @!p0 [hbm:s0], s1  }
0xa6: {  	s0 =	simm.s32 @!p0 $0x9  }
0xa7: {  	_ =	swait.ge @!p0 [sflag:s0], s1  }
0xa8: {  	s1 =	ssub.s32 @!p0 $0x0, s1;
	[sflag:s0] =	ssyncset.done @!p0 $0x0  }
0xa9: {  	[sflag:s0] =	ssyncadd.s32 @!p0 s1  }
0xaa: {  	[bflag:$0x3] =	sbarrier.arrive $0xFFFF  }
0xab: {  	_ =	shalt  }

</sc_bundles>
